<compile_context>
chip_gen: v7x
topology: tpu7x:2x2x1
jax: 0.10.2.dev20260603
libtpu: 0.0.44.dev20260713+nightly
codegen_flags: <defaults>
</compile_context>

<pallas_src>
import functools

import jax
import jax.numpy as jnp
from jax import lax
from jax.experimental import pallas as pl
from jax.experimental.pallas import tpu as pltpu
from jax.experimental.pallas import tpu_sc as plsc

_K = 1024
_L = 16
_NW = 32


def _sc_mask_body(chunk, tiles_per_row, s_len, idx_hbm, out_hbm, idx_v, chunk_v):
    c = lax.axis_index("c")
    sub = lax.axis_index("s")
    wid = sub * 2 + c
    base = wid * chunk
    row = lax.div(wid, tiles_per_row)
    off = base - row * s_len
    pltpu.sync_copy(idx_hbm.at[pl.ds(row * _K, _K)], idx_v)
    ones = jnp.ones((_L,), jnp.float32)
    zeros = jnp.zeros((_L,), jnp.float32)
    for j in range(chunk // _L):
        chunk_v[pl.ds(j * _L, _L)] = ones
    for j in range(_K // _L):
        g = idx_v[pl.ds(j * _L, _L)]
        loc = g - off
        inb = (loc >= 0) & (loc < chunk)
        locc = jnp.minimum(jnp.maximum(loc, 0), chunk - 1)
        plsc.store_scatter(chunk_v, [locc], zeros, mask=inb)
    pltpu.sync_copy(chunk_v, out_hbm.at[pl.ds(base, chunk)])


def _build_mask(mask_indices, b, s):
    chunk = b * s // _NW
    tiles_per_row = s // chunk
    body = functools.partial(_sc_mask_body, chunk, tiles_per_row, s)
    sc_call = pl.kernel(
        body,
        out_type=jax.ShapeDtypeStruct((b * s,), jnp.float32),
        mesh=plsc.VectorSubcoreMesh(core_axis_name="c", subcore_axis_name="s"),
        scratch_types=[
            pltpu.VMEM((_K,), jnp.int32),
            pltpu.VMEM((chunk,), jnp.float32),
        ],
        compiler_params=pltpu.CompilerParams(
            needs_layout_passes=False, skip_device_barrier=True),
    )
    return sc_call(mask_indices.reshape(-1))


def _mul_kernel(mask_ref, x_ref, o_ref):
    j = pl.program_id(1)
    t = x_ref.shape[1]
    keep = mask_ref[0, 0, pl.ds(j * t, t)]
    o_ref[0, :, :] = x_ref[0, :, :] * keep[:, None]


def kernel(x, mask_indices):
    b, s, d = x.shape
    keep = _build_mask(mask_indices, b, s).reshape(b, 1, s)
    t = 2048
    grid = (b, s // t)
    return pl.pallas_call(
        _mul_kernel,
        grid=grid,
        in_specs=[
            pl.BlockSpec((1, 1, s), lambda bi, j: (bi, 0, 0)),
            pl.BlockSpec((1, t, d), lambda bi, j: (bi, j, 0)),
        ],
        out_specs=pl.BlockSpec((1, t, d), lambda bi, j: (bi, j, 0)),
        out_shape=jax.ShapeDtypeStruct((b, s, d), x.dtype),
    )(keep, x)

# --- scband reference (transcript-rebuilt; emitter-appended) ---
"""Pipeline reference for scband-kinematic-mask-2911987827270 (READ-ONLY COPY).

The authoritative reference and input builder live on the scoring server;
editing this copy changes nothing except your own understanding.
"""

import jax, jax.numpy as jnp
import numpy as np

MASK_COUNT = 1024
B, S, D = 4, 8192, 1024


def setup_inputs(seed: int = 0) -> dict:
    key = jax.random.key(seed)
    kx, km = jax.random.split(key)
    x = jax.random.normal(kx, (B, S, D), dtype=jnp.float32)
    # Per-batch unique mask indices (analog of torch's random.randint set-building,
    # sampled without replacement via permutation).
    keys = jax.random.split(km, B)
    mask_indices = jax.vmap(lambda k: jax.random.permutation(k, S)[:MASK_COUNT])(keys)
    mask_indices = mask_indices.astype(jnp.int32)
    return {"x": x, "mask_indices": mask_indices}


def reference(x, mask_indices):
    # x: [B, S, D] float32; mask_indices: [B, MASK_COUNT] int (unique per row)
    b, s, _ = x.shape
    mask = jnp.ones((b, s, 1), dtype=x.dtype)
    batch_idx = jnp.arange(b)[:, None]  # [B, 1] broadcasts with [B, MASK_COUNT]
    mask = mask.at[batch_idx, mask_indices, 0].set(0.0)
    return x * mask

if __name__ == "__main__":
    import jax
    _d = setup_inputs()
    print(jax.jit(kernel)(*tuple(_d.values())))

</pallas_src>

<mosaic_0001>
#map = affine_map<(d0, d1) -> (0)>
module attributes {stable_mosaic.version = 14 : i64} {
  func.func @_sc_mask_body(%arg0: i32, %arg1: i32, %arg2: memref<4096xi32, #tpu.memory_space<hbm>>, %arg3: memref<32768xf32, #tpu.memory_space<hbm>>, %arg4: memref<1024xi32, #tpu.memory_space<vmem>>, %arg5: memref<1024xf32, #tpu.memory_space<vmem>>) attributes {dimension_semantics = [#tpu.dimension_semantics<core_parallel>, #tpu.dimension_semantics<subcore_parallel>], iteration_bounds = array<i64: 2, 16>, scalar_prefetch = 0 : i64, scratch_operands = 2 : i64, tpu.core_type = #tpu.core_type<sc_vector_subcore>, window_params = [{transform_indices = #map}, {transform_indices = #map}]} {
    %mul3A = arith.constant 2 : i32
    %mul3A_0 = arith.muli %arg1, %mul3A : i32
    %add3A = arith.addi %mul3A_0, %arg0 : i32
    %mul3A_1 = arith.constant 1024 : i32
    %mul3A_2 = arith.muli %add3A, %mul3A_1 : i32
    %div3A = arith.constant 8 : i32
    %div3A_3 = arith.divsi %add3A, %div3A : i32
    %mul3A_4 = arith.constant 8192 : i32
    %mul3A_5 = arith.muli %div3A_3, %mul3A_4 : i32
    %sub3A = arith.subi %mul3A_2, %mul3A_5 : i32
    %mul3A_6 = arith.constant 1024 : i32
    %mul3A_7 = arith.muli %div3A_3, %mul3A_6 : i32
    "tpu.region"() ({
      %run_scoped3A = tpu.sem_alloc : memref<!tpu.dma_semaphore, #tpu.memory_space<semaphore_mem>>
      %dma_start3A = tpu.memref_slice %arg2[%mul3A_7] : memref<4096xi32, #tpu.memory_space<hbm>> -> memref<1024xi32, #tpu.memory_space<hbm>>
      %dma_start3A_1220 = tpu.memref_slice %arg2[%mul3A_7] : memref<4096xi32, #tpu.memory_space<hbm>> -> memref<1024xi32, #tpu.memory_space<hbm>>
      tpu.enqueue_dma source(%dma_start3A_1220 : memref<1024xi32, #tpu.memory_space<hbm>>) target(%arg4 : memref<1024xi32, #tpu.memory_space<vmem>>) target_semaphore(%run_scoped3A : memref<!tpu.dma_semaphore, #tpu.memory_space<semaphore_mem>>)
      %dma_wait3A = tpu.memref_slice %arg2[%mul3A_7] : memref<4096xi32, #tpu.memory_space<hbm>> -> memref<1024xi32, #tpu.memory_space<hbm>>
      %dma_wait3A_1221 = tpu.memref_slice %arg2[%mul3A_7] : memref<4096xi32, #tpu.memory_space<hbm>> -> memref<1024xi32, #tpu.memory_space<hbm>>
      tpu.wait_dma2 semaphore(%run_scoped3A : memref<!tpu.dma_semaphore, #tpu.memory_space<semaphore_mem>>) src(%dma_wait3A_1221 : memref<1024xi32, #tpu.memory_space<hbm>>) dst(%arg4 : memref<1024xi32, #tpu.memory_space<vmem>>)
      tpu.yield
    }) : () -> ()
    %broadcast_in_dim3A = arith.constant 1.000000e+00 : f32
    %broadcast_in_dim3A_8 = vector.broadcast %broadcast_in_dim3A : f32 to vector<16xf32>
    %broadcast_in_dim3A_9 = arith.constant 0.000000e+00 : f32
    %broadcast_in_dim3A_10 = vector.broadcast %broadcast_in_dim3A_9 : f32 to vector<16xf32>
    %swap3A = arith.constant 0 : index
    %swap3A_11 = tpu.vector_load %arg5[%swap3A] {strides = array<i32>} : memref<1024xf32, #tpu.memory_space<vmem>>, vector<16xf32>,
    tpu.vector_store %arg5[%swap3A], %broadcast_in_dim3A_8 {strides = array<i32>} : memref<1024xf32, #tpu.memory_space<vmem>>, vector<16xf32>,
    %swap3A_12 = arith.constant 16 : index
    %swap3A_13 = tpu.vector_load %arg5[%swap3A_12] {strides = array<i32>} : memref<1024xf32, #tpu.memory_space<vmem>>, vector<16xf32>,
    tpu.vector_store %arg5[%swap3A_12], %broadcast_in_dim3A_8 {strides = array<i32>} : memref<1024xf32, #tpu.memory_space<vmem>>, vector<16xf32>,
    %swap3A_14 = arith.constant 32 : index
    %swap3A_15 = tpu.vector_load %arg5[%swap3A_14] {strides = array<i32>} : memref<1024xf32, #tpu.memory_space<vmem>>, vector<16xf32>,
    tpu.vector_store %arg5[%swap3A_14], %broadcast_in_dim3A_8 {strides = array<i32>} : memref<1024xf32, #tpu.memory_space<vmem>>, vector<16xf32>,
    %swap3A_16 = arith.constant 48 : index
    %swap3A_17 = tpu.vector_load %arg5[%swap3A_16] {strides = array<i32>} : memref<1024xf32, #tpu.memory_space<vmem>>, vector<16xf32>,
    tpu.vector_store %arg5[%swap3A_16], %broadcast_in_dim3A_8 {strides = array<i32>} : memref<1024xf32, #tpu.memory_space<vmem>>, vector<16xf32>,
    %swap3A_18 = arith.constant 64 : index
    %swap3A_19 = tpu.vector_load %arg5[%swap3A_18] {strides = array<i32>} : memref<1024xf32, #tpu.memory_space<vmem>>, vector<16xf32>,
    tpu.vector_store %arg5[%swap3A_18], %broadcast_in_dim3A_8 {strides = array<i32>} : memref<1024xf32, #tpu.memory_space<vmem>>, vector<16xf32>,
    %swap3A_20 = arith.constant 80 : index
    %swap3A_21 = tpu.vector_load %arg5[%swap3A_20] {strides = array<i32>} : memref<1024xf32, #tpu.memory_space<vmem>>, vector<16xf32>,
    tpu.vector_store %arg5[%swap3A_20], %broadcast_in_dim3A_8 {strides = array<i32>} : memref<1024xf32, #tpu.memory_space<vmem>>, vector<16xf32>,
    %swap3A_22 = arith.constant 96 : index
    %swap3A_23 = tpu.vector_load %arg5[%swap3A_22] {strides = array<i32>} : memref<1024xf32, #tpu.memory_space<vmem>>, vector<16xf32>,
    tpu.vector_store %arg5[%swap3A_22], %broadcast_in_dim3A_8 {strides = array<i32>} : memref<1024xf32, #tpu.memory_space<vmem>>, vector<16xf32>,
    %swap3A_24 = arith.constant 112 : index
    %swap3A_25 = tpu.vector_load %arg5[%swap3A_24] {strides = array<i32>} : memref<1024xf32, #tpu.memory_space<vmem>>, vector<16xf32>,
    tpu.vector_store %arg5[%swap3A_24], %broadcast_in_dim3A_8 {strides = array<i32>} : memref<1024xf32, #tpu.memory_space<vmem>>, vector<16xf32>,
    %swap3A_26 = arith.constant 128 : index
    %swap3A_27 = tpu.vector_load %arg5[%swap3A_26] {strides = array<i32>} : memref<1024xf32, #tpu.memory_space<vmem>>, vector<16xf32>,
    tpu.vector_store %arg5[%swap3A_26], %broadcast_in_dim3A_8 {strides = array<i32>} : memref<1024xf32, #tpu.memory_space<vmem>>, vector<16xf32>,
    %swap3A_28 = arith.constant 144 : index
    %swap3A_29 = tpu.vector_load %arg5[%swap3A_28] {strides = array<i32>} : memref<1024xf32, #tpu.memory_space<vmem>>, vector<16xf32>,
    tpu.vector_store %arg5[%swap3A_28], %broadcast_in_dim3A_8 {strides = array<i32>} : memref<1024xf32, #tpu.memory_space<vmem>>, vector<16xf32>,
    %swap3A_30 = arith.constant 160 : index
    %swap3A_31 = tpu.vector_load %arg5[%swap3A_30] {strides = array<i32>} : memref<1024xf32, #tpu.memory_space<vmem>>, vector<16xf32>,
    tpu.vector_store %arg5[%swap3A_30], %broadcast_in_dim3A_8 {strides = array<i32>} : memref<1024xf32, #tpu.memory_space<vmem>>, vector<16xf32>,
    %swap3A_32 = arith.constant 176 : index
    %swap3A_33 = tpu.vector_load %arg5[%swap3A_32] {strides = array<i32>} : memref<1024xf32, #tpu.memory_space<vmem>>, vector<16xf32>,
    tpu.vector_store %arg5[%swap3A_32], %broadcast_in_dim3A_8 {strides = array<i32>} : memref<1024xf32, #tpu.memory_space<vmem>>, vector<16xf32>,
    %swap3A_34 = arith.constant 192 : index
    %swap3A_35 = tpu.vector_load %arg5[%swap3A_34] {strides = array<i32>} : memref<1024xf32, #tpu.memory_space<vmem>>, vector<16xf32>,
    tpu.vector_store %arg5[%swap3A_34], %broadcast_in_dim3A_8 {strides = array<i32>} : memref<1024xf32, #tpu.memory_space<vmem>>, vector<16xf32>,
    %swap3A_36 = arith.constant 208 : index
    %swap3A_37 = tpu.vector_load %arg5[%swap3A_36] {strides = array<i32>} : memref<1024xf32, #tpu.memory_space<vmem>>, vector<16xf32>,
    tpu.vector_store %arg5[%swap3A_36], %broadcast_in_dim3A_8 {strides = array<i32>} : memref<1024xf32, #tpu.memory_space<vmem>>, vector<16xf32>,
    %swap3A_38 = arith.constant 224 : index
    %swap3A_39 = tpu.vector_load %arg5[%swap3A_38] {strides = array<i32>} : memref<1024xf32, #tpu.memory_space<vmem>>, vector<16xf32>,
    tpu.vector_store %arg5[%swap3A_38], %broadcast_in_dim3A_8 {strides = array<i32>} : memref<1024xf32, #tpu.memory_space<vmem>>, vector<16xf32>,
    %swap3A_40 = arith.constant 240 : index
    %swap3A_41 = tpu.vector_load %arg5[%swap3A_40] {strides = array<i32>} : memref<1024xf32, #tpu.memory_space<vmem>>, vector<16xf32>,
    tpu.vector_store %arg5[%swap3A_40], %broadcast_in_dim3A_8 {strides = array<i32>} : memref<1024xf32, #tpu.memory_space<vmem>>, vector<16xf32>,
    %swap3A_42 = arith.constant 256 : index
    %swap3A_43 = tpu.vector_load %arg5[%swap3A_42] {strides = array<i32>} : memref<1024xf32, #tpu.memory_space<vmem>>, vector<16xf32>,
    tpu.vector_store %arg5[%swap3A_42], %broadcast_in_dim3A_8 {strides = array<i32>} : memref<1024xf32, #tpu.memory_space<vmem>>, vector<16xf32>,
    %swap3A_44 = arith.constant 272 : index
    %swap3A_45 = tpu.vector_load %arg5[%swap3A_44] {strides = array<i32>} : memref<1024xf32, #tpu.memory_space<vmem>>, vector<16xf32>,
    tpu.vector_store %arg5[%swap3A_44], %broadcast_in_dim3A_8 {strides = array<i32>} : memref<1024xf32, #tpu.memory_space<vmem>>, vector<16xf32>,
    %swap3A_46 = arith.constant 288 : index
    %swap3A_47 = tpu.vector_load %arg5[%swap3A_46] {strides = array<i32>} : memref<1024xf32, #tpu.memory_space<vmem>>, vector<16xf32>,
    tpu.vector_store %arg5[%swap3A_46], %broadcast_in_dim3A_8 {strides = array<i32>} : memref<1024xf32, #tpu.memory_space<vmem>>, vector<16xf32>,
    %swap3A_48 = arith.constant 304 : index
    %swap3A_49 = tpu.vector_load %arg5[%swap3A_48] {strides = array<i32>} : memref<1024xf32, #tpu.memory_space<vmem>>, vector<16xf32>,
    tpu.vector_store %arg5[%swap3A_48], %broadcast_in_dim3A_8 {strides = array<i32>} : memref<1024xf32, #tpu.memory_space<vmem>>, vector<16xf32>,
    %swap3A_50 = arith.constant 320 : index
    %swap3A_51 = tpu.vector_load %arg5[%swap3A_50] {strides = array<i32>} : memref<1024xf32, #tpu.memory_space<vmem>>, vector<16xf32>,
    tpu.vector_store %arg5[%swap3A_50], %broadcast_in_dim3A_8 {strides = array<i32>} : memref<1024xf32, #tpu.memory_space<vmem>>, vector<16xf32>,
    %swap3A_52 = arith.constant 336 : index
    %swap3A_53 = tpu.vector_load %arg5[%swap3A_52] {strides = array<i32>} : memref<1024xf32, #tpu.memory_space<vmem>>, vector<16xf32>,
    tpu.vector_store %arg5[%swap3A_52], %broadcast_in_dim3A_8 {strides = array<i32>} : memref<1024xf32, #tpu.memory_space<vmem>>, vector<16xf32>,
    %swap3A_54 = arith.constant 352 : index
    %swap3A_55 = tpu.vector_load %arg5[%swap3A_54] {strides = array<i32>} : memref<1024xf32, #tpu.memory_space<vmem>>, vector<16xf32>,
    tpu.vector_store %arg5[%swap3A_54], %broadcast_in_dim3A_8 {strides = array<i32>} : memref<1024xf32, #tpu.memory_space<vmem>>, vector<16xf32>,
    %swap3A_56 = arith.constant 368 : index
    %swap3A_57 = tpu.vector_load %arg5[%swap3A_56] {strides = array<i32>} : memref<1024xf32, #tpu.memory_space<vmem>>, vector<16xf32>,
    tpu.vector_store %arg5[%swap3A_56], %broadcast_in_dim3A_8 {strides = array<i32>} : memref<1024xf32, #tpu.memory_space<vmem>>, vector<16xf32>,
    %swap3A_58 = arith.constant 384 : index
    %swap3A_59 = tpu.vector_load %arg5[%swap3A_58] {strides = array<i32>} : memref<1024xf32, #tpu.memory_space<vmem>>, vector<16xf32>,
    tpu.vector_store %arg5[%swap3A_58], %broadcast_in_dim3A_8 {strides = array<i32>} : memref<1024xf32, #tpu.memory_space<vmem>>, vector<16xf32>,
    %swap3A_60 = arith.constant 400 : index
    %swap3A_61 = tpu.vector_load %arg5[%swap3A_60] {strides = array<i32>} : memref<1024xf32, #tpu.memory_space<vmem>>, vector<16xf32>,
    tpu.vector_store %arg5[%swap3A_60], %broadcast_in_dim3A_8 {strides = array<i32>} : memref<1024xf32, #tpu.memory_space<vmem>>, vector<16xf32>,
    %swap3A_62 = arith.constant 416 : index
    %swap3A_63 = tpu.vector_load %arg5[%swap3A_62] {strides = array<i32>} : memref<1024xf32, #tpu.memory_space<vmem>>, vector<16xf32>,
    tpu.vector_store %arg5[%swap3A_62], %broadcast_in_dim3A_8 {strides = array<i32>} : memref<1024xf32, #tpu.memory_space<vmem>>, vector<16xf32>,
    %swap3A_64 = arith.constant 432 : index
    %swap3A_65 = tpu.vector_load %arg5[%swap3A_64] {strides = array<i32>} : memref<1024xf32, #tpu.memory_space<vmem>>, vector<16xf32>,
    tpu.vector_store %arg5[%swap3A_64], %broadcast_in_dim3A_8 {strides = array<i32>} : memref<1024xf32, #tpu.memory_space<vmem>>, vector<16xf32>,
    %swap3A_66 = arith.constant 448 : index
    %swap3A_67 = tpu.vector_load %arg5[%swap3A_66] {strides = array<i32>} : memref<1024xf32, #tpu.memory_space<vmem>>, vector<16xf32>,
    tpu.vector_store %arg5[%swap3A_66], %broadcast_in_dim3A_8 {strides = array<i32>} : memref<1024xf32, #tpu.memory_space<vmem>>, vector<16xf32>,
    %swap3A_68 = arith.constant 464 : index
    %swap3A_69 = tpu.vector_load %arg5[%swap3A_68] {strides = array<i32>} : memref<1024xf32, #tpu.memory_space<vmem>>, vector<16xf32>,
    tpu.vector_store %arg5[%swap3A_68], %broadcast_in_dim3A_8 {strides = array<i32>} : memref<1024xf32, #tpu.memory_space<vmem>>, vector<16xf32>,
    %swap3A_70 = arith.constant 480 : index
    %swap3A_71 = tpu.vector_load %arg5[%swap3A_70] {strides = array<i32>} : memref<1024xf32, #tpu.memory_space<vmem>>, vector<16xf32>,
    tpu.vector_store %arg5[%swap3A_70], %broadcast_in_dim3A_8 {strides = array<i32>} : memref<1024xf32, #tpu.memory_space<vmem>>, vector<16xf32>,
    %swap3A_72 = arith.constant 496 : index
    %swap3A_73 = tpu.vector_load %arg5[%swap3A_72] {strides = array<i32>} : memref<1024xf32, #tpu.memory_space<vmem>>, vector<16xf32>,
    tpu.vector_store %arg5[%swap3A_72], %broadcast_in_dim3A_8 {strides = array<i32>} : memref<1024xf32, #tpu.memory_space<vmem>>, vector<16xf32>,
    %swap3A_74 = arith.constant 512 : index
    %swap3A_75 = tpu.vector_load %arg5[%swap3A_74] {strides = array<i32>} : memref<1024xf32, #tpu.memory_space<vmem>>, vector<16xf32>,
    tpu.vector_store %arg5[%swap3A_74], %broadcast_in_dim3A_8 {strides = array<i32>} : memref<1024xf32, #tpu.memory_space<vmem>>, vector<16xf32>,
    %swap3A_76 = arith.constant 528 : index
    %swap3A_77 = tpu.vector_load %arg5[%swap3A_76] {strides = array<i32>} : memref<1024xf32, #tpu.memory_space<vmem>>, vector<16xf32>,
    tpu.vector_store %arg5[%swap3A_76], %broadcast_in_dim3A_8 {strides = array<i32>} : memref<1024xf32, #tpu.memory_space<vmem>>, vector<16xf32>,
    %swap3A_78 = arith.constant 544 : index
    %swap3A_79 = tpu.vector_load %arg5[%swap3A_78] {strides = array<i32>} : memref<1024xf32, #tpu.memory_space<vmem>>, vector<16xf32>,
    tpu.vector_store %arg5[%swap3A_78], %broadcast_in_dim3A_8 {strides = array<i32>} : memref<1024xf32, #tpu.memory_space<vmem>>, vector<16xf32>,
    %swap3A_80 = arith.constant 560 : index
    %swap3A_81 = tpu.vector_load %arg5[%swap3A_80] {strides = array<i32>} : memref<1024xf32, #tpu.memory_space<vmem>>, vector<16xf32>,
    tpu.vector_store %arg5[%swap3A_80], %broadcast_in_dim3A_8 {strides = array<i32>} : memref<1024xf32, #tpu.memory_space<vmem>>, vector<16xf32>,
    %swap3A_82 = arith.constant 576 : index
    %swap3A_83 = tpu.vector_load %arg5[%swap3A_82] {strides = array<i32>} : memref<1024xf32, #tpu.memory_space<vmem>>, vector<16xf32>,
    tpu.vector_store %arg5[%swap3A_82], %broadcast_in_dim3A_8 {strides = array<i32>} : memref<1024xf32, #tpu.memory_space<vmem>>, vector<16xf32>,
    %swap3A_84 = arith.constant 592 : index
    %swap3A_85 = tpu.vector_load %arg5[%swap3A_84] {strides = array<i32>} : memref<1024xf32, #tpu.memory_space<vmem>>, vector<16xf32>,
    tpu.vector_store %arg5[%swap3A_84], %broadcast_in_dim3A_8 {strides = array<i32>} : memref<1024xf32, #tpu.memory_space<vmem>>, vector<16xf32>,
    %swap3A_86 = arith.constant 608 : index
    %swap3A_87 = tpu.vector_load %arg5[%swap3A_86] {strides = array<i32>} : memref<1024xf32, #tpu.memory_space<vmem>>, vector<16xf32>,
    tpu.vector_store %arg5[%swap3A_86], %broadcast_in_dim3A_8 {strides = array<i32>} : memref<1024xf32, #tpu.memory_space<vmem>>, vector<16xf32>,
    %swap3A_88 = arith.constant 624 : index
    %swap3A_89 = tpu.vector_load %arg5[%swap3A_88] {strides = array<i32>} : memref<1024xf32, #tpu.memory_space<vmem>>, vector<16xf32>,
    tpu.vector_store %arg5[%swap3A_88], %broadcast_in_dim3A_8 {strides = array<i32>} : memref<1024xf32, #tpu.memory_space<vmem>>, vector<16xf32>,
    %swap3A_90 = arith.constant 640 : index
    %swap3A_91 = tpu.vector_load %arg5[%swap3A_90] {strides = array<i32>} : memref<1024xf32, #tpu.memory_space<vmem>>, vector<16xf32>,
    tpu.vector_store %arg5[%swap3A_90], %broadcast_in_dim3A_8 {strides = array<i32>} : memref<1024xf32, #tpu.memory_space<vmem>>, vector<16xf32>,
    %swap3A_92 = arith.constant 656 : index
    %swap3A_93 = tpu.vector_load %arg5[%swap3A_92] {strides = array<i32>} : memref<1024xf32, #tpu.memory_space<vmem>>, vector<16xf32>,
    tpu.vector_store %arg5[%swap3A_92], %broadcast_in_dim3A_8 {strides = array<i32>} : memref<1024xf32, #tpu.memory_space<vmem>>, vector<16xf32>,
    %swap3A_94 = arith.constant 672 : index
    %swap3A_95 = tpu.vector_load %arg5[%swap3A_94] {strides = array<i32>} : memref<1024xf32, #tpu.memory_space<vmem>>, vector<16xf32>,
    tpu.vector_store %arg5[%swap3A_94], %broadcast_in_dim3A_8 {strides = array<i32>} : memref<1024xf32, #tpu.memory_space<vmem>>, vector<16xf32>,
    %swap3A_96 = arith.constant 688 : index
    %swap3A_97 = tpu.vector_load %arg5[%swap3A_96] {strides = array<i32>} : memref<1024xf32, #tpu.memory_space<vmem>>, vector<16xf32>,
    tpu.vector_store %arg5[%swap3A_96], %broadcast_in_dim3A_8 {strides = array<i32>} : memref<1024xf32, #tpu.memory_space<vmem>>, vector<16xf32>,
    %swap3A_98 = arith.constant 704 : index
    %swap3A_99 = tpu.vector_load %arg5[%swap3A_98] {strides = array<i32>} : memref<1024xf32, #tpu.memory_space<vmem>>, vector<16xf32>,
    tpu.vector_store %arg5[%swap3A_98], %broadcast_in_dim3A_8 {strides = array<i32>} : memref<1024xf32, #tpu.memory_space<vmem>>, vector<16xf32>,
    %swap3A_100 = arith.constant 720 : index
    %swap3A_101 = tpu.vector_load %arg5[%swap3A_100] {strides = array<i32>} : memref<1024xf32, #tpu.memory_space<vmem>>, vector<16xf32>,
    tpu.vector_store %arg5[%swap3A_100], %broadcast_in_dim3A_8 {strides = array<i32>} : memref<1024xf32, #tpu.memory_space<vmem>>, vector<16xf32>,
    %swap3A_102 = arith.constant 736 : index
    %swap3A_103 = tpu.vector_load %arg5[%swap3A_102] {strides = array<i32>} : memref<1024xf32, #tpu.memory_space<vmem>>, vector<16xf32>,
    tpu.vector_store %arg5[%swap3A_102], %broadcast_in_dim3A_8 {strides = array<i32>} : memref<1024xf32, #tpu.memory_space<vmem>>, vector<16xf32>,
    %swap3A_104 = arith.constant 752 : index
    %swap3A_105 = tpu.vector_load %arg5[%swap3A_104] {strides = array<i32>} : memref<1024xf32, #tpu.memory_space<vmem>>, vector<16xf32>,
    tpu.vector_store %arg5[%swap3A_104], %broadcast_in_dim3A_8 {strides = array<i32>} : memref<1024xf32, #tpu.memory_space<vmem>>, vector<16xf32>,
    %swap3A_106 = arith.constant 768 : index
    %swap3A_107 = tpu.vector_load %arg5[%swap3A_106] {strides = array<i32>} : memref<1024xf32, #tpu.memory_space<vmem>>, vector<16xf32>,
    tpu.vector_store %arg5[%swap3A_106], %broadcast_in_dim3A_8 {strides = array<i32>} : memref<1024xf32, #tpu.memory_space<vmem>>, vector<16xf32>,
    %swap3A_108 = arith.constant 784 : index
    %swap3A_109 = tpu.vector_load %arg5[%swap3A_108] {strides = array<i32>} : memref<1024xf32, #tpu.memory_space<vmem>>, vector<16xf32>,
    tpu.vector_store %arg5[%swap3A_108], %broadcast_in_dim3A_8 {strides = array<i32>} : memref<1024xf32, #tpu.memory_space<vmem>>, vector<16xf32>,
    %swap3A_110 = arith.constant 800 : index
    %swap3A_111 = tpu.vector_load %arg5[%swap3A_110] {strides = array<i32>} : memref<1024xf32, #tpu.memory_space<vmem>>, vector<16xf32>,
    tpu.vector_store %arg5[%swap3A_110], %broadcast_in_dim3A_8 {strides = array<i32>} : memref<1024xf32, #tpu.memory_space<vmem>>, vector<16xf32>,
    %swap3A_112 = arith.constant 816 : index
    %swap3A_113 = tpu.vector_load %arg5[%swap3A_112] {strides = array<i32>} : memref<1024xf32, #tpu.memory_space<vmem>>, vector<16xf32>,
    tpu.vector_store %arg5[%swap3A_112], %broadcast_in_dim3A_8 {strides = array<i32>} : memref<1024xf32, #tpu.memory_space<vmem>>, vector<16xf32>,
    %swap3A_114 = arith.constant 832 : index
    %swap3A_115 = tpu.vector_load %arg5[%swap3A_114] {strides = array<i32>} : memref<1024xf32, #tpu.memory_space<vmem>>, vector<16xf32>,
    tpu.vector_store %arg5[%swap3A_114], %broadcast_in_dim3A_8 {strides = array<i32>} : memref<1024xf32, #tpu.memory_space<vmem>>, vector<16xf32>,
    %swap3A_116 = arith.constant 848 : index
    %swap3A_117 = tpu.vector_load %arg5[%swap3A_116] {strides = array<i32>} : memref<1024xf32, #tpu.memory_space<vmem>>, vector<16xf32>,
    tpu.vector_store %arg5[%swap3A_116], %broadcast_in_dim3A_8 {strides = array<i32>} : memref<1024xf32, #tpu.memory_space<vmem>>, vector<16xf32>,
    %swap3A_118 = arith.constant 864 : index
    %swap3A_119 = tpu.vector_load %arg5[%swap3A_118] {strides = array<i32>} : memref<1024xf32, #tpu.memory_space<vmem>>, vector<16xf32>,
    tpu.vector_store %arg5[%swap3A_118], %broadcast_in_dim3A_8 {strides = array<i32>} : memref<1024xf32, #tpu.memory_space<vmem>>, vector<16xf32>,
    %swap3A_120 = arith.constant 880 : index
    %swap3A_121 = tpu.vector_load %arg5[%swap3A_120] {strides = array<i32>} : memref<1024xf32, #tpu.memory_space<vmem>>, vector<16xf32>,
    tpu.vector_store %arg5[%swap3A_120], %broadcast_in_dim3A_8 {strides = array<i32>} : memref<1024xf32, #tpu.memory_space<vmem>>, vector<16xf32>,
    %swap3A_122 = arith.constant 896 : index
    %swap3A_123 = tpu.vector_load %arg5[%swap3A_122] {strides = array<i32>} : memref<1024xf32, #tpu.memory_space<vmem>>, vector<16xf32>,
    tpu.vector_store %arg5[%swap3A_122], %broadcast_in_dim3A_8 {strides = array<i32>} : memref<1024xf32, #tpu.memory_space<vmem>>, vector<16xf32>,
    %swap3A_124 = arith.constant 912 : index
    %swap3A_125 = tpu.vector_load %arg5[%swap3A_124] {strides = array<i32>} : memref<1024xf32, #tpu.memory_space<vmem>>, vector<16xf32>,
    tpu.vector_store %arg5[%swap3A_124], %broadcast_in_dim3A_8 {strides = array<i32>} : memref<1024xf32, #tpu.memory_space<vmem>>, vector<16xf32>,
    %swap3A_126 = arith.constant 928 : index
    %swap3A_127 = tpu.vector_load %arg5[%swap3A_126] {strides = array<i32>} : memref<1024xf32, #tpu.memory_space<vmem>>, vector<16xf32>,
    tpu.vector_store %arg5[%swap3A_126], %broadcast_in_dim3A_8 {strides = array<i32>} : memref<1024xf32, #tpu.memory_space<vmem>>, vector<16xf32>,
    %swap3A_128 = arith.constant 944 : index
    %swap3A_129 = tpu.vector_load %arg5[%swap3A_128] {strides = array<i32>} : memref<1024xf32, #tpu.memory_space<vmem>>, vector<16xf32>,
    tpu.vector_store %arg5[%swap3A_128], %broadcast_in_dim3A_8 {strides = array<i32>} : memref<1024xf32, #tpu.memory_space<vmem>>, vector<16xf32>,
    %swap3A_130 = arith.constant 960 : index
    %swap3A_131 = tpu.vector_load %arg5[%swap3A_130] {strides = array<i32>} : memref<1024xf32, #tpu.memory_space<vmem>>, vector<16xf32>,
    tpu.vector_store %arg5[%swap3A_130], %broadcast_in_dim3A_8 {strides = array<i32>} : memref<1024xf32, #tpu.memory_space<vmem>>, vector<16xf32>,
    %swap3A_132 = arith.constant 976 : index
    %swap3A_133 = tpu.vector_load %arg5[%swap3A_132] {strides = array<i32>} : memref<1024xf32, #tpu.memory_space<vmem>>, vector<16xf32>,
    tpu.vector_store %arg5[%swap3A_132], %broadcast_in_dim3A_8 {strides = array<i32>} : memref<1024xf32, #tpu.memory_space<vmem>>, vector<16xf32>,
    %swap3A_134 = arith.constant 992 : index
    %swap3A_135 = tpu.vector_load %arg5[%swap3A_134] {strides = array<i32>} : memref<1024xf32, #tpu.memory_space<vmem>>, vector<16xf32>,
    tpu.vector_store %arg5[%swap3A_134], %broadcast_in_dim3A_8 {strides = array<i32>} : memref<1024xf32, #tpu.memory_space<vmem>>, vector<16xf32>,
    %swap3A_136 = arith.constant 1008 : index
    %swap3A_137 = tpu.vector_load %arg5[%swap3A_136] {strides = array<i32>} : memref<1024xf32, #tpu.memory_space<vmem>>, vector<16xf32>,
    tpu.vector_store %arg5[%swap3A_136], %broadcast_in_dim3A_8 {strides = array<i32>} : memref<1024xf32, #tpu.memory_space<vmem>>, vector<16xf32>,
    %get3A = arith.constant 0 : index
    %get3A_138 = tpu.vector_load %arg4[%get3A] {strides = array<i32>} : memref<1024xi32, #tpu.memory_space<vmem>>, vector<16xi32>,
    %sub3A_139 = vector.broadcast %sub3A : i32 to vector<16xi32>
    %sub3A_140 = arith.subi %get3A_138, %sub3A_139 : vector<16xi32>
    %ge3A = arith.constant 0 : i32
    %ge3A_141 = vector.broadcast %ge3A : i32 to vector<16xi32>
    %ge3A_142 = arith.cmpi sge, %sub3A_140, %ge3A_141 : vector<16xi32>
    %lt3A = arith.constant 1024 : i32
    %lt3A_143 = vector.broadcast %lt3A : i32 to vector<16xi32>
    %lt3A_144 = arith.cmpi slt, %sub3A_140, %lt3A_143 : vector<16xi32>
    %and3A = arith.andi %ge3A_142, %lt3A_144 : vector<16xi1>
    %max3A = arith.constant 0 : i32
    %max3A_145 = vector.broadcast %max3A : i32 to vector<16xi32>
    %max3A_146 = arith.maxsi %sub3A_140, %max3A_145 : vector<16xi32>
    %min3A = arith.constant 1023 : i32
    %min3A_147 = vector.broadcast %min3A : i32 to vector<16xi32>
    %min3A_148 = arith.minsi %max3A_146, %min3A_147 : vector<16xi32>
    tpu.vector_store_idx %arg5[%min3A_148], %broadcast_in_dim3A_10 masked %and3A : memref<1024xf32, #tpu.memory_space<vmem>>[vector<16xi32>], vector<16xf32>, vector<16xi1>
    %get3A_149 = arith.constant 16 : index
    %get3A_150 = tpu.vector_load %arg4[%get3A_149] {strides = array<i32>} : memref<1024xi32, #tpu.memory_space<vmem>>, vector<16xi32>,
    %sub3A_151 = vector.broadcast %sub3A : i32 to vector<16xi32>
    %sub3A_152 = arith.subi %get3A_150, %sub3A_151 : vector<16xi32>
    %ge3A_153 = arith.constant 0 : i32
    %ge3A_154 = vector.broadcast %ge3A_153 : i32 to vector<16xi32>
    %ge3A_155 = arith.cmpi sge, %sub3A_152, %ge3A_154 : vector<16xi32>
    %lt3A_156 = arith.constant 1024 : i32
    %lt3A_157 = vector.broadcast %lt3A_156 : i32 to vector<16xi32>
    %lt3A_158 = arith.cmpi slt, %sub3A_152, %lt3A_157 : vector<16xi32>
    %and3A_159 = arith.andi %ge3A_155, %lt3A_158 : vector<16xi1>
    %max3A_160 = arith.constant 0 : i32
    %max3A_161 = vector.broadcast %max3A_160 : i32 to vector<16xi32>
    %max3A_162 = arith.maxsi %sub3A_152, %max3A_161 : vector<16xi32>
    %min3A_163 = arith.constant 1023 : i32
    %min3A_164 = vector.broadcast %min3A_163 : i32 to vector<16xi32>
    %min3A_165 = arith.minsi %max3A_162, %min3A_164 : vector<16xi32>
    tpu.vector_store_idx %arg5[%min3A_165], %broadcast_in_dim3A_10 masked %and3A_159 : memref<1024xf32, #tpu.memory_space<vmem>>[vector<16xi32>], vector<16xf32>, vector<16xi1>
    %get3A_166 = arith.constant 32 : index
    %get3A_167 = tpu.vector_load %arg4[%get3A_166] {strides = array<i32>} : memref<1024xi32, #tpu.memory_space<vmem>>, vector<16xi32>,
    %sub3A_168 = vector.broadcast %sub3A : i32 to vector<16xi32>
    %sub3A_169 = arith.subi %get3A_167, %sub3A_168 : vector<16xi32>
    %ge3A_170 = arith.constant 0 : i32
    %ge3A_171 = vector.broadcast %ge3A_170 : i32 to vector<16xi32>
    %ge3A_172 = arith.cmpi sge, %sub3A_169, %ge3A_171 : vector<16xi32>
    %lt3A_173 = arith.constant 1024 : i32
    %lt3A_174 = vector.broadcast %lt3A_173 : i32 to vector<16xi32>
    %lt3A_175 = arith.cmpi slt, %sub3A_169, %lt3A_174 : vector<16xi32>
    %and3A_176 = arith.andi %ge3A_172, %lt3A_175 : vector<16xi1>
    %max3A_177 = arith.constant 0 : i32
    %max3A_178 = vector.broadcast %max3A_177 : i32 to vector<16xi32>
    %max3A_179 = arith.maxsi %sub3A_169, %max3A_178 : vector<16xi32>
    %min3A_180 = arith.constant 1023 : i32
    %min3A_181 = vector.broadcast %min3A_180 : i32 to vector<16xi32>
    %min3A_182 = arith.minsi %max3A_179, %min3A_181 : vector<16xi32>
    tpu.vector_store_idx %arg5[%min3A_182], %broadcast_in_dim3A_10 masked %and3A_176 : memref<1024xf32, #tpu.memory_space<vmem>>[vector<16xi32>], vector<16xf32>, vector<16xi1>
    %get3A_183 = arith.constant 48 : index
    %get3A_184 = tpu.vector_load %arg4[%get3A_183] {strides = array<i32>} : memref<1024xi32, #tpu.memory_space<vmem>>, vector<16xi32>,
    %sub3A_185 = vector.broadcast %sub3A : i32 to vector<16xi32>
    %sub3A_186 = arith.subi %get3A_184, %sub3A_185 : vector<16xi32>
    %ge3A_187 = arith.constant 0 : i32
    %ge3A_188 = vector.broadcast %ge3A_187 : i32 to vector<16xi32>
    %ge3A_189 = arith.cmpi sge, %sub3A_186, %ge3A_188 : vector<16xi32>
    %lt3A_190 = arith.constant 1024 : i32
    %lt3A_191 = vector.broadcast %lt3A_190 : i32 to vector<16xi32>
    %lt3A_192 = arith.cmpi slt, %sub3A_186, %lt3A_191 : vector<16xi32>
    %and3A_193 = arith.andi %ge3A_189, %lt3A_192 : vector<16xi1>
    %max3A_194 = arith.constant 0 : i32
    %max3A_195 = vector.broadcast %max3A_194 : i32 to vector<16xi32>
    %max3A_196 = arith.maxsi %sub3A_186, %max3A_195 : vector<16xi32>
    %min3A_197 = arith.constant 1023 : i32
    %min3A_198 = vector.broadcast %min3A_197 : i32 to vector<16xi32>
    %min3A_199 = arith.minsi %max3A_196, %min3A_198 : vector<16xi32>
    tpu.vector_store_idx %arg5[%min3A_199], %broadcast_in_dim3A_10 masked %and3A_193 : memref<1024xf32, #tpu.memory_space<vmem>>[vector<16xi32>], vector<16xf32>, vector<16xi1>
    %get3A_200 = arith.constant 64 : index
    %get3A_201 = tpu.vector_load %arg4[%get3A_200] {strides = array<i32>} : memref<1024xi32, #tpu.memory_space<vmem>>, vector<16xi32>,
    %sub3A_202 = vector.broadcast %sub3A : i32 to vector<16xi32>
    %sub3A_203 = arith.subi %get3A_201, %sub3A_202 : vector<16xi32>
    %ge3A_204 = arith.constant 0 : i32
    %ge3A_205 = vector.broadcast %ge3A_204 : i32 to vector<16xi32>
    %ge3A_206 = arith.cmpi sge, %sub3A_203, %ge3A_205 : vector<16xi32>
    %lt3A_207 = arith.constant 1024 : i32
    %lt3A_208 = vector.broadcast %lt3A_207 : i32 to vector<16xi32>
    %lt3A_209 = arith.cmpi slt, %sub3A_203, %lt3A_208 : vector<16xi32>
    %and3A_210 = arith.andi %ge3A_206, %lt3A_209 : vector<16xi1>
    %max3A_211 = arith.constant 0 : i32
    %max3A_212 = vector.broadcast %max3A_211 : i32 to vector<16xi32>
    %max3A_213 = arith.maxsi %sub3A_203, %max3A_212 : vector<16xi32>
    %min3A_214 = arith.constant 1023 : i32
    %min3A_215 = vector.broadcast %min3A_214 : i32 to vector<16xi32>
    %min3A_216 = arith.minsi %max3A_213, %min3A_215 : vector<16xi32>
    tpu.vector_store_idx %arg5[%min3A_216], %broadcast_in_dim3A_10 masked %and3A_210 : memref<1024xf32, #tpu.memory_space<vmem>>[vector<16xi32>], vector<16xf32>, vector<16xi1>
    %get3A_217 = arith.constant 80 : index
    %get3A_218 = tpu.vector_load %arg4[%get3A_217] {strides = array<i32>} : memref<1024xi32, #tpu.memory_space<vmem>>, vector<16xi32>,
    %sub3A_219 = vector.broadcast %sub3A : i32 to vector<16xi32>
    %sub3A_220 = arith.subi %get3A_218, %sub3A_219 : vector<16xi32>
    %ge3A_221 = arith.constant 0 : i32
    %ge3A_222 = vector.broadcast %ge3A_221 : i32 to vector<16xi32>
    %ge3A_223 = arith.cmpi sge, %sub3A_220, %ge3A_222 : vector<16xi32>
    %lt3A_224 = arith.constant 1024 : i32
    %lt3A_225 = vector.broadcast %lt3A_224 : i32 to vector<16xi32>
    %lt3A_226 = arith.cmpi slt, %sub3A_220, %lt3A_225 : vector<16xi32>
    %and3A_227 = arith.andi %ge3A_223, %lt3A_226 : vector<16xi1>
    %max3A_228 = arith.constant 0 : i32
    %max3A_229 = vector.broadcast %max3A_228 : i32 to vector<16xi32>
    %max3A_230 = arith.maxsi %sub3A_220, %max3A_229 : vector<16xi32>
    %min3A_231 = arith.constant 1023 : i32
    %min3A_232 = vector.broadcast %min3A_231 : i32 to vector<16xi32>
    %min3A_233 = arith.minsi %max3A_230, %min3A_232 : vector<16xi32>
    tpu.vector_store_idx %arg5[%min3A_233], %broadcast_in_dim3A_10 masked %and3A_227 : memref<1024xf32, #tpu.memory_space<vmem>>[vector<16xi32>], vector<16xf32>, vector<16xi1>
    %get3A_234 = arith.constant 96 : index
    %get3A_235 = tpu.vector_load %arg4[%get3A_234] {strides = array<i32>} : memref<1024xi32, #tpu.memory_space<vmem>>, vector<16xi32>,
    %sub3A_236 = vector.broadcast %sub3A : i32 to vector<16xi32>
    %sub3A_237 = arith.subi %get3A_235, %sub3A_236 : vector<16xi32>
    %ge3A_238 = arith.constant 0 : i32
    %ge3A_239 = vector.broadcast %ge3A_238 : i32 to vector<16xi32>
    %ge3A_240 = arith.cmpi sge, %sub3A_237, %ge3A_239 : vector<16xi32>
    %lt3A_241 = arith.constant 1024 : i32
    %lt3A_242 = vector.broadcast %lt3A_241 : i32 to vector<16xi32>
    %lt3A_243 = arith.cmpi slt, %sub3A_237, %lt3A_242 : vector<16xi32>
    %and3A_244 = arith.andi %ge3A_240, %lt3A_243 : vector<16xi1>
    %max3A_245 = arith.constant 0 : i32
    %max3A_246 = vector.broadcast %max3A_245 : i32 to vector<16xi32>
    %max3A_247 = arith.maxsi %sub3A_237, %max3A_246 : vector<16xi32>
    %min3A_248 = arith.constant 1023 : i32
    %min3A_249 = vector.broadcast %min3A_248 : i32 to vector<16xi32>
    %min3A_250 = arith.minsi %max3A_247, %min3A_249 : vector<16xi32>
    tpu.vector_store_idx %arg5[%min3A_250], %broadcast_in_dim3A_10 masked %and3A_244 : memref<1024xf32, #tpu.memory_space<vmem>>[vector<16xi32>], vector<16xf32>, vector<16xi1>
    %get3A_251 = arith.constant 112 : index
    %get3A_252 = tpu.vector_load %arg4[%get3A_251] {strides = array<i32>} : memref<1024xi32, #tpu.memory_space<vmem>>, vector<16xi32>,
    %sub3A_253 = vector.broadcast %sub3A : i32 to vector<16xi32>
    %sub3A_254 = arith.subi %get3A_252, %sub3A_253 : vector<16xi32>
    %ge3A_255 = arith.constant 0 : i32
    %ge3A_256 = vector.broadcast %ge3A_255 : i32 to vector<16xi32>
    %ge3A_257 = arith.cmpi sge, %sub3A_254, %ge3A_256 : vector<16xi32>
    %lt3A_258 = arith.constant 1024 : i32
    %lt3A_259 = vector.broadcast %lt3A_258 : i32 to vector<16xi32>
    %lt3A_260 = arith.cmpi slt, %sub3A_254, %lt3A_259 : vector<16xi32>
    %and3A_261 = arith.andi %ge3A_257, %lt3A_260 : vector<16xi1>
    %max3A_262 = arith.constant 0 : i32
    %max3A_263 = vector.broadcast %max3A_262 : i32 to vector<16xi32>
    %max3A_264 = arith.maxsi %sub3A_254, %max3A_263 : vector<16xi32>
    %min3A_265 = arith.constant 1023 : i32
    %min3A_266 = vector.broadcast %min3A_265 : i32 to vector<16xi32>
    %min3A_267 = arith.minsi %max3A_264, %min3A_266 : vector<16xi32>
    tpu.vector_store_idx %arg5[%min3A_267], %broadcast_in_dim3A_10 masked %and3A_261 : memref<1024xf32, #tpu.memory_space<vmem>>[vector<16xi32>], vector<16xf32>, vector<16xi1>
    %get3A_268 = arith.constant 128 : index
    %get3A_269 = tpu.vector_load %arg4[%get3A_268] {strides = array<i32>} : memref<1024xi32, #tpu.memory_space<vmem>>, vector<16xi32>,
    %sub3A_270 = vector.broadcast %sub3A : i32 to vector<16xi32>
    %sub3A_271 = arith.subi %get3A_269, %sub3A_270 : vector<16xi32>
    %ge3A_272 = arith.constant 0 : i32
    %ge3A_273 = vector.broadcast %ge3A_272 : i32 to vector<16xi32>
    %ge3A_274 = arith.cmpi sge, %sub3A_271, %ge3A_273 : vector<16xi32>
    %lt3A_275 = arith.constant 1024 : i32
    %lt3A_276 = vector.broadcast %lt3A_275 : i32 to vector<16xi32>
    %lt3A_277 = arith.cmpi slt, %sub3A_271, %lt3A_276 : vector<16xi32>
    %and3A_278 = arith.andi %ge3A_274, %lt3A_277 : vector<16xi1>
    %max3A_279 = arith.constant 0 : i32
    %max3A_280 = vector.broadcast %max3A_279 : i32 to vector<16xi32>
    %max3A_281 = arith.maxsi %sub3A_271, %max3A_280 : vector<16xi32>
    %min3A_282 = arith.constant 1023 : i32
    %min3A_283 = vector.broadcast %min3A_282 : i32 to vector<16xi32>
    %min3A_284 = arith.minsi %max3A_281, %min3A_283 : vector<16xi32>
    tpu.vector_store_idx %arg5[%min3A_284], %broadcast_in_dim3A_10 masked %and3A_278 : memref<1024xf32, #tpu.memory_space<vmem>>[vector<16xi32>], vector<16xf32>, vector<16xi1>
    %get3A_285 = arith.constant 144 : index
    %get3A_286 = tpu.vector_load %arg4[%get3A_285] {strides = array<i32>} : memref<1024xi32, #tpu.memory_space<vmem>>, vector<16xi32>,
    %sub3A_287 = vector.broadcast %sub3A : i32 to vector<16xi32>
    %sub3A_288 = arith.subi %get3A_286, %sub3A_287 : vector<16xi32>
    %ge3A_289 = arith.constant 0 : i32
    %ge3A_290 = vector.broadcast %ge3A_289 : i32 to vector<16xi32>
    %ge3A_291 = arith.cmpi sge, %sub3A_288, %ge3A_290 : vector<16xi32>
    %lt3A_292 = arith.constant 1024 : i32
    %lt3A_293 = vector.broadcast %lt3A_292 : i32 to vector<16xi32>
    %lt3A_294 = arith.cmpi slt, %sub3A_288, %lt3A_293 : vector<16xi32>
    %and3A_295 = arith.andi %ge3A_291, %lt3A_294 : vector<16xi1>
    %max3A_296 = arith.constant 0 : i32
    %max3A_297 = vector.broadcast %max3A_296 : i32 to vector<16xi32>
    %max3A_298 = arith.maxsi %sub3A_288, %max3A_297 : vector<16xi32>
    %min3A_299 = arith.constant 1023 : i32
    %min3A_300 = vector.broadcast %min3A_299 : i32 to vector<16xi32>
    %min3A_301 = arith.minsi %max3A_298, %min3A_300 : vector<16xi32>
    tpu.vector_store_idx %arg5[%min3A_301], %broadcast_in_dim3A_10 masked %and3A_295 : memref<1024xf32, #tpu.memory_space<vmem>>[vector<16xi32>], vector<16xf32>, vector<16xi1>
    %get3A_302 = arith.constant 160 : index
    %get3A_303 = tpu.vector_load %arg4[%get3A_302] {strides = array<i32>} : memref<1024xi32, #tpu.memory_space<vmem>>, vector<16xi32>,
    %sub3A_304 = vector.broadcast %sub3A : i32 to vector<16xi32>
    %sub3A_305 = arith.subi %get3A_303, %sub3A_304 : vector<16xi32>
    %ge3A_306 = arith.constant 0 : i32
    %ge3A_307 = vector.broadcast %ge3A_306 : i32 to vector<16xi32>
    %ge3A_308 = arith.cmpi sge, %sub3A_305, %ge3A_307 : vector<16xi32>
    %lt3A_309 = arith.constant 1024 : i32
    %lt3A_310 = vector.broadcast %lt3A_309 : i32 to vector<16xi32>
    %lt3A_311 = arith.cmpi slt, %sub3A_305, %lt3A_310 : vector<16xi32>
    %and3A_312 = arith.andi %ge3A_308, %lt3A_311 : vector<16xi1>
    %max3A_313 = arith.constant 0 : i32
    %max3A_314 = vector.broadcast %max3A_313 : i32 to vector<16xi32>
    %max3A_315 = arith.maxsi %sub3A_305, %max3A_314 : vector<16xi32>
    %min3A_316 = arith.constant 1023 : i32
    %min3A_317 = vector.broadcast %min3A_316 : i32 to vector<16xi32>
    %min3A_318 = arith.minsi %max3A_315, %min3A_317 : vector<16xi32>
    tpu.vector_store_idx %arg5[%min3A_318], %broadcast_in_dim3A_10 masked %and3A_312 : memref<1024xf32, #tpu.memory_space<vmem>>[vector<16xi32>], vector<16xf32>, vector<16xi1>
    %get3A_319 = arith.constant 176 : index
    %get3A_320 = tpu.vector_load %arg4[%get3A_319] {strides = array<i32>} : memref<1024xi32, #tpu.memory_space<vmem>>, vector<16xi32>,
    %sub3A_321 = vector.broadcast %sub3A : i32 to vector<16xi32>
    %sub3A_322 = arith.subi %get3A_320, %sub3A_321 : vector<16xi32>
    %ge3A_323 = arith.constant 0 : i32
    %ge3A_324 = vector.broadcast %ge3A_323 : i32 to vector<16xi32>
    %ge3A_325 = arith.cmpi sge, %sub3A_322, %ge3A_324 : vector<16xi32>
    %lt3A_326 = arith.constant 1024 : i32
    %lt3A_327 = vector.broadcast %lt3A_326 : i32 to vector<16xi32>
    %lt3A_328 = arith.cmpi slt, %sub3A_322, %lt3A_327 : vector<16xi32>
    %and3A_329 = arith.andi %ge3A_325, %lt3A_328 : vector<16xi1>
    %max3A_330 = arith.constant 0 : i32
    %max3A_331 = vector.broadcast %max3A_330 : i32 to vector<16xi32>
    %max3A_332 = arith.maxsi %sub3A_322, %max3A_331 : vector<16xi32>
    %min3A_333 = arith.constant 1023 : i32
    %min3A_334 = vector.broadcast %min3A_333 : i32 to vector<16xi32>
    %min3A_335 = arith.minsi %max3A_332, %min3A_334 : vector<16xi32>
    tpu.vector_store_idx %arg5[%min3A_335], %broadcast_in_dim3A_10 masked %and3A_329 : memref<1024xf32, #tpu.memory_space<vmem>>[vector<16xi32>], vector<16xf32>, vector<16xi1>
    %get3A_336 = arith.constant 192 : index
    %get3A_337 = tpu.vector_load %arg4[%get3A_336] {strides = array<i32>} : memref<1024xi32, #tpu.memory_space<vmem>>, vector<16xi32>,
    %sub3A_338 = vector.broadcast %sub3A : i32 to vector<16xi32>
    %sub3A_339 = arith.subi %get3A_337, %sub3A_338 : vector<16xi32>
    %ge3A_340 = arith.constant 0 : i32
    %ge3A_341 = vector.broadcast %ge3A_340 : i32 to vector<16xi32>
    %ge3A_342 = arith.cmpi sge, %sub3A_339, %ge3A_341 : vector<16xi32>
    %lt3A_343 = arith.constant 1024 : i32
    %lt3A_344 = vector.broadcast %lt3A_343 : i32 to vector<16xi32>
    %lt3A_345 = arith.cmpi slt, %sub3A_339, %lt3A_344 : vector<16xi32>
    %and3A_346 = arith.andi %ge3A_342, %lt3A_345 : vector<16xi1>
    %max3A_347 = arith.constant 0 : i32
    %max3A_348 = vector.broadcast %max3A_347 : i32 to vector<16xi32>
    %max3A_349 = arith.maxsi %sub3A_339, %max3A_348 : vector<16xi32>
    %min3A_350 = arith.constant 1023 : i32
    %min3A_351 = vector.broadcast %min3A_350 : i32 to vector<16xi32>
    %min3A_352 = arith.minsi %max3A_349, %min3A_351 : vector<16xi32>
    tpu.vector_store_idx %arg5[%min3A_352], %broadcast_in_dim3A_10 masked %and3A_346 : memref<1024xf32, #tpu.memory_space<vmem>>[vector<16xi32>], vector<16xf32>, vector<16xi1>
    %get3A_353 = arith.constant 208 : index
    %get3A_354 = tpu.vector_load %arg4[%get3A_353] {strides = array<i32>} : memref<1024xi32, #tpu.memory_space<vmem>>, vector<16xi32>,
    %sub3A_355 = vector.broadcast %sub3A : i32 to vector<16xi32>
    %sub3A_356 = arith.subi %get3A_354, %sub3A_355 : vector<16xi32>
    %ge3A_357 = arith.constant 0 : i32
    %ge3A_358 = vector.broadcast %ge3A_357 : i32 to vector<16xi32>
    %ge3A_359 = arith.cmpi sge, %sub3A_356, %ge3A_358 : vector<16xi32>
    %lt3A_360 = arith.constant 1024 : i32
    %lt3A_361 = vector.broadcast %lt3A_360 : i32 to vector<16xi32>
    %lt3A_362 = arith.cmpi slt, %sub3A_356, %lt3A_361 : vector<16xi32>
    %and3A_363 = arith.andi %ge3A_359, %lt3A_362 : vector<16xi1>
    %max3A_364 = arith.constant 0 : i32
    %max3A_365 = vector.broadcast %max3A_364 : i32 to vector<16xi32>
    %max3A_366 = arith.maxsi %sub3A_356, %max3A_365 : vector<16xi32>
    %min3A_367 = arith.constant 1023 : i32
    %min3A_368 = vector.broadcast %min3A_367 : i32 to vector<16xi32>
    %min3A_369 = arith.minsi %max3A_366, %min3A_368 : vector<16xi32>
    tpu.vector_store_idx %arg5[%min3A_369], %broadcast_in_dim3A_10 masked %and3A_363 : memref<1024xf32, #tpu.memory_space<vmem>>[vector<16xi32>], vector<16xf32>, vector<16xi1>
    %get3A_370 = arith.constant 224 : index
    %get3A_371 = tpu.vector_load %arg4[%get3A_370] {strides = array<i32>} : memref<1024xi32, #tpu.memory_space<vmem>>, vector<16xi32>,
    %sub3A_372 = vector.broadcast %sub3A : i32 to vector<16xi32>
    %sub3A_373 = arith.subi %get3A_371, %sub3A_372 : vector<16xi32>
    %ge3A_374 = arith.constant 0 : i32
    %ge3A_375 = vector.broadcast %ge3A_374 : i32 to vector<16xi32>
    %ge3A_376 = arith.cmpi sge, %sub3A_373, %ge3A_375 : vector<16xi32>
    %lt3A_377 = arith.constant 1024 : i32
    %lt3A_378 = vector.broadcast %lt3A_377 : i32 to vector<16xi32>
    %lt3A_379 = arith.cmpi slt, %sub3A_373, %lt3A_378 : vector<16xi32>
    %and3A_380 = arith.andi %ge3A_376, %lt3A_379 : vector<16xi1>
    %max3A_381 = arith.constant 0 : i32
    %max3A_382 = vector.broadcast %max3A_381 : i32 to vector<16xi32>
    %max3A_383 = arith.maxsi %sub3A_373, %max3A_382 : vector<16xi32>
    %min3A_384 = arith.constant 1023 : i32
    %min3A_385 = vector.broadcast %min3A_384 : i32 to vector<16xi32>
    %min3A_386 = arith.minsi %max3A_383, %min3A_385 : vector<16xi32>
    tpu.vector_store_idx %arg5[%min3A_386], %broadcast_in_dim3A_10 masked %and3A_380 : memref<1024xf32, #tpu.memory_space<vmem>>[vector<16xi32>], vector<16xf32>, vector<16xi1>
    %get3A_387 = arith.constant 240 : index
    %get3A_388 = tpu.vector_load %arg4[%get3A_387] {strides = array<i32>} : memref<1024xi32, #tpu.memory_space<vmem>>, vector<16xi32>,
    %sub3A_389 = vector.broadcast %sub3A : i32 to vector<16xi32>
    %sub3A_390 = arith.subi %get3A_388, %sub3A_389 : vector<16xi32>
    %ge3A_391 = arith.constant 0 : i32
    %ge3A_392 = vector.broadcast %ge3A_391 : i32 to vector<16xi32>
    %ge3A_393 = arith.cmpi sge, %sub3A_390, %ge3A_392 : vector<16xi32>
    %lt3A_394 = arith.constant 1024 : i32
    %lt3A_395 = vector.broadcast %lt3A_394 : i32 to vector<16xi32>
    %lt3A_396 = arith.cmpi slt, %sub3A_390, %lt3A_395 : vector<16xi32>
    %and3A_397 = arith.andi %ge3A_393, %lt3A_396 : vector<16xi1>
    %max3A_398 = arith.constant 0 : i32
    %max3A_399 = vector.broadcast %max3A_398 : i32 to vector<16xi32>
    %max3A_400 = arith.maxsi %sub3A_390, %max3A_399 : vector<16xi32>
    %min3A_401 = arith.constant 1023 : i32
    %min3A_402 = vector.broadcast %min3A_401 : i32 to vector<16xi32>
    %min3A_403 = arith.minsi %max3A_400, %min3A_402 : vector<16xi32>
    tpu.vector_store_idx %arg5[%min3A_403], %broadcast_in_dim3A_10 masked %and3A_397 : memref<1024xf32, #tpu.memory_space<vmem>>[vector<16xi32>], vector<16xf32>, vector<16xi1>
    %get3A_404 = arith.constant 256 : index
    %get3A_405 = tpu.vector_load %arg4[%get3A_404] {strides = array<i32>} : memref<1024xi32, #tpu.memory_space<vmem>>, vector<16xi32>,
    %sub3A_406 = vector.broadcast %sub3A : i32 to vector<16xi32>
    %sub3A_407 = arith.subi %get3A_405, %sub3A_406 : vector<16xi32>
    %ge3A_408 = arith.constant 0 : i32
    %ge3A_409 = vector.broadcast %ge3A_408 : i32 to vector<16xi32>
    %ge3A_410 = arith.cmpi sge, %sub3A_407, %ge3A_409 : vector<16xi32>
    %lt3A_411 = arith.constant 1024 : i32
    %lt3A_412 = vector.broadcast %lt3A_411 : i32 to vector<16xi32>
    %lt3A_413 = arith.cmpi slt, %sub3A_407, %lt3A_412 : vector<16xi32>
    %and3A_414 = arith.andi %ge3A_410, %lt3A_413 : vector<16xi1>
    %max3A_415 = arith.constant 0 : i32
    %max3A_416 = vector.broadcast %max3A_415 : i32 to vector<16xi32>
    %max3A_417 = arith.maxsi %sub3A_407, %max3A_416 : vector<16xi32>
    %min3A_418 = arith.constant 1023 : i32
    %min3A_419 = vector.broadcast %min3A_418 : i32 to vector<16xi32>
    %min3A_420 = arith.minsi %max3A_417, %min3A_419 : vector<16xi32>
    tpu.vector_store_idx %arg5[%min3A_420], %broadcast_in_dim3A_10 masked %and3A_414 : memref<1024xf32, #tpu.memory_space<vmem>>[vector<16xi32>], vector<16xf32>, vector<16xi1>
    %get3A_421 = arith.constant 272 : index
    %get3A_422 = tpu.vector_load %arg4[%get3A_421] {strides = array<i32>} : memref<1024xi32, #tpu.memory_space<vmem>>, vector<16xi32>,
    %sub3A_423 = vector.broadcast %sub3A : i32 to vector<16xi32>
    %sub3A_424 = arith.subi %get3A_422, %sub3A_423 : vector<16xi32>
    %ge3A_425 = arith.constant 0 : i32
    %ge3A_426 = vector.broadcast %ge3A_425 : i32 to vector<16xi32>
    %ge3A_427 = arith.cmpi sge, %sub3A_424, %ge3A_426 : vector<16xi32>
    %lt3A_428 = arith.constant 1024 : i32
    %lt3A_429 = vector.broadcast %lt3A_428 : i32 to vector<16xi32>
    %lt3A_430 = arith.cmpi slt, %sub3A_424, %lt3A_429 : vector<16xi32>
    %and3A_431 = arith.andi %ge3A_427, %lt3A_430 : vector<16xi1>
    %max3A_432 = arith.constant 0 : i32
    %max3A_433 = vector.broadcast %max3A_432 : i32 to vector<16xi32>
    %max3A_434 = arith.maxsi %sub3A_424, %max3A_433 : vector<16xi32>
    %min3A_435 = arith.constant 1023 : i32
    %min3A_436 = vector.broadcast %min3A_435 : i32 to vector<16xi32>
    %min3A_437 = arith.minsi %max3A_434, %min3A_436 : vector<16xi32>
    tpu.vector_store_idx %arg5[%min3A_437], %broadcast_in_dim3A_10 masked %and3A_431 : memref<1024xf32, #tpu.memory_space<vmem>>[vector<16xi32>], vector<16xf32>, vector<16xi1>
    %get3A_438 = arith.constant 288 : index
    %get3A_439 = tpu.vector_load %arg4[%get3A_438] {strides = array<i32>} : memref<1024xi32, #tpu.memory_space<vmem>>, vector<16xi32>,
    %sub3A_440 = vector.broadcast %sub3A : i32 to vector<16xi32>
    %sub3A_441 = arith.subi %get3A_439, %sub3A_440 : vector<16xi32>
    %ge3A_442 = arith.constant 0 : i32
    %ge3A_443 = vector.broadcast %ge3A_442 : i32 to vector<16xi32>
    %ge3A_444 = arith.cmpi sge, %sub3A_441, %ge3A_443 : vector<16xi32>
    %lt3A_445 = arith.constant 1024 : i32
    %lt3A_446 = vector.broadcast %lt3A_445 : i32 to vector<16xi32>
    %lt3A_447 = arith.cmpi slt, %sub3A_441, %lt3A_446 : vector<16xi32>
    %and3A_448 = arith.andi %ge3A_444, %lt3A_447 : vector<16xi1>
    %max3A_449 = arith.constant 0 : i32
    %max3A_450 = vector.broadcast %max3A_449 : i32 to vector<16xi32>
    %max3A_451 = arith.maxsi %sub3A_441, %max3A_450 : vector<16xi32>
    %min3A_452 = arith.constant 1023 : i32
    %min3A_453 = vector.broadcast %min3A_452 : i32 to vector<16xi32>
    %min3A_454 = arith.minsi %max3A_451, %min3A_453 : vector<16xi32>
    tpu.vector_store_idx %arg5[%min3A_454], %broadcast_in_dim3A_10 masked %and3A_448 : memref<1024xf32, #tpu.memory_space<vmem>>[vector<16xi32>], vector<16xf32>, vector<16xi1>
    %get3A_455 = arith.constant 304 : index
    %get3A_456 = tpu.vector_load %arg4[%get3A_455] {strides = array<i32>} : memref<1024xi32, #tpu.memory_space<vmem>>, vector<16xi32>,
    %sub3A_457 = vector.broadcast %sub3A : i32 to vector<16xi32>
    %sub3A_458 = arith.subi %get3A_456, %sub3A_457 : vector<16xi32>
    %ge3A_459 = arith.constant 0 : i32
    %ge3A_460 = vector.broadcast %ge3A_459 : i32 to vector<16xi32>
    %ge3A_461 = arith.cmpi sge, %sub3A_458, %ge3A_460 : vector<16xi32>
    %lt3A_462 = arith.constant 1024 : i32
    %lt3A_463 = vector.broadcast %lt3A_462 : i32 to vector<16xi32>
    %lt3A_464 = arith.cmpi slt, %sub3A_458, %lt3A_463 : vector<16xi32>
    %and3A_465 = arith.andi %ge3A_461, %lt3A_464 : vector<16xi1>
    %max3A_466 = arith.constant 0 : i32
    %max3A_467 = vector.broadcast %max3A_466 : i32 to vector<16xi32>
    %max3A_468 = arith.maxsi %sub3A_458, %max3A_467 : vector<16xi32>
    %min3A_469 = arith.constant 1023 : i32
    %min3A_470 = vector.broadcast %min3A_469 : i32 to vector<16xi32>
    %min3A_471 = arith.minsi %max3A_468, %min3A_470 : vector<16xi32>
    tpu.vector_store_idx %arg5[%min3A_471], %broadcast_in_dim3A_10 masked %and3A_465 : memref<1024xf32, #tpu.memory_space<vmem>>[vector<16xi32>], vector<16xf32>, vector<16xi1>
    %get3A_472 = arith.constant 320 : index
    %get3A_473 = tpu.vector_load %arg4[%get3A_472] {strides = array<i32>} : memref<1024xi32, #tpu.memory_space<vmem>>, vector<16xi32>,
    %sub3A_474 = vector.broadcast %sub3A : i32 to vector<16xi32>
    %sub3A_475 = arith.subi %get3A_473, %sub3A_474 : vector<16xi32>
    %ge3A_476 = arith.constant 0 : i32
    %ge3A_477 = vector.broadcast %ge3A_476 : i32 to vector<16xi32>
    %ge3A_478 = arith.cmpi sge, %sub3A_475, %ge3A_477 : vector<16xi32>
    %lt3A_479 = arith.constant 1024 : i32
    %lt3A_480 = vector.broadcast %lt3A_479 : i32 to vector<16xi32>
    %lt3A_481 = arith.cmpi slt, %sub3A_475, %lt3A_480 : vector<16xi32>
    %and3A_482 = arith.andi %ge3A_478, %lt3A_481 : vector<16xi1>
    %max3A_483 = arith.constant 0 : i32
    %max3A_484 = vector.broadcast %max3A_483 : i32 to vector<16xi32>
    %max3A_485 = arith.maxsi %sub3A_475, %max3A_484 : vector<16xi32>
    %min3A_486 = arith.constant 1023 : i32
    %min3A_487 = vector.broadcast %min3A_486 : i32 to vector<16xi32>
    %min3A_488 = arith.minsi %max3A_485, %min3A_487 : vector<16xi32>
    tpu.vector_store_idx %arg5[%min3A_488], %broadcast_in_dim3A_10 masked %and3A_482 : memref<1024xf32, #tpu.memory_space<vmem>>[vector<16xi32>], vector<16xf32>, vector<16xi1>
    %get3A_489 = arith.constant 336 : index
    %get3A_490 = tpu.vector_load %arg4[%get3A_489] {strides = array<i32>} : memref<1024xi32, #tpu.memory_space<vmem>>, vector<16xi32>,
    %sub3A_491 = vector.broadcast %sub3A : i32 to vector<16xi32>
    %sub3A_492 = arith.subi %get3A_490, %sub3A_491 : vector<16xi32>
    %ge3A_493 = arith.constant 0 : i32
    %ge3A_494 = vector.broadcast %ge3A_493 : i32 to vector<16xi32>
    %ge3A_495 = arith.cmpi sge, %sub3A_492, %ge3A_494 : vector<16xi32>
    %lt3A_496 = arith.constant 1024 : i32
    %lt3A_497 = vector.broadcast %lt3A_496 : i32 to vector<16xi32>
    %lt3A_498 = arith.cmpi slt, %sub3A_492, %lt3A_497 : vector<16xi32>
    %and3A_499 = arith.andi %ge3A_495, %lt3A_498 : vector<16xi1>
    %max3A_500 = arith.constant 0 : i32
    %max3A_501 = vector.broadcast %max3A_500 : i32 to vector<16xi32>
    %max3A_502 = arith.maxsi %sub3A_492, %max3A_501 : vector<16xi32>
    %min3A_503 = arith.constant 1023 : i32
    %min3A_504 = vector.broadcast %min3A_503 : i32 to vector<16xi32>
    %min3A_505 = arith.minsi %max3A_502, %min3A_504 : vector<16xi32>
    tpu.vector_store_idx %arg5[%min3A_505], %broadcast_in_dim3A_10 masked %and3A_499 : memref<1024xf32, #tpu.memory_space<vmem>>[vector<16xi32>], vector<16xf32>, vector<16xi1>
    %get3A_506 = arith.constant 352 : index
    %get3A_507 = tpu.vector_load %arg4[%get3A_506] {strides = array<i32>} : memref<1024xi32, #tpu.memory_space<vmem>>, vector<16xi32>,
    %sub3A_508 = vector.broadcast %sub3A : i32 to vector<16xi32>
    %sub3A_509 = arith.subi %get3A_507, %sub3A_508 : vector<16xi32>
    %ge3A_510 = arith.constant 0 : i32
    %ge3A_511 = vector.broadcast %ge3A_510 : i32 to vector<16xi32>
    %ge3A_512 = arith.cmpi sge, %sub3A_509, %ge3A_511 : vector<16xi32>
    %lt3A_513 = arith.constant 1024 : i32
    %lt3A_514 = vector.broadcast %lt3A_513 : i32 to vector<16xi32>
    %lt3A_515 = arith.cmpi slt, %sub3A_509, %lt3A_514 : vector<16xi32>
    %and3A_516 = arith.andi %ge3A_512, %lt3A_515 : vector<16xi1>
    %max3A_517 = arith.constant 0 : i32
    %max3A_518 = vector.broadcast %max3A_517 : i32 to vector<16xi32>
    %max3A_519 = arith.maxsi %sub3A_509, %max3A_518 : vector<16xi32>
    %min3A_520 = arith.constant 1023 : i32
    %min3A_521 = vector.broadcast %min3A_520 : i32 to vector<16xi32>
    %min3A_522 = arith.minsi %max3A_519, %min3A_521 : vector<16xi32>
    tpu.vector_store_idx %arg5[%min3A_522], %broadcast_in_dim3A_10 masked %and3A_516 : memref<1024xf32, #tpu.memory_space<vmem>>[vector<16xi32>], vector<16xf32>, vector<16xi1>
    %get3A_523 = arith.constant 368 : index
    %get3A_524 = tpu.vector_load %arg4[%get3A_523] {strides = array<i32>} : memref<1024xi32, #tpu.memory_space<vmem>>, vector<16xi32>,
    %sub3A_525 = vector.broadcast %sub3A : i32 to vector<16xi32>
    %sub3A_526 = arith.subi %get3A_524, %sub3A_525 : vector<16xi32>
    %ge3A_527 = arith.constant 0 : i32
    %ge3A_528 = vector.broadcast %ge3A_527 : i32 to vector<16xi32>
    %ge3A_529 = arith.cmpi sge, %sub3A_526, %ge3A_528 : vector<16xi32>
    %lt3A_530 = arith.constant 1024 : i32
    %lt3A_531 = vector.broadcast %lt3A_530 : i32 to vector<16xi32>
    %lt3A_532 = arith.cmpi slt, %sub3A_526, %lt3A_531 : vector<16xi32>
    %and3A_533 = arith.andi %ge3A_529, %lt3A_532 : vector<16xi1>
    %max3A_534 = arith.constant 0 : i32
    %max3A_535 = vector.broadcast %max3A_534 : i32 to vector<16xi32>
    %max3A_536 = arith.maxsi %sub3A_526, %max3A_535 : vector<16xi32>
    %min3A_537 = arith.constant 1023 : i32
    %min3A_538 = vector.broadcast %min3A_537 : i32 to vector<16xi32>
    %min3A_539 = arith.minsi %max3A_536, %min3A_538 : vector<16xi32>
    tpu.vector_store_idx %arg5[%min3A_539], %broadcast_in_dim3A_10 masked %and3A_533 : memref<1024xf32, #tpu.memory_space<vmem>>[vector<16xi32>], vector<16xf32>, vector<16xi1>
    %get3A_540 = arith.constant 384 : index
    %get3A_541 = tpu.vector_load %arg4[%get3A_540] {strides = array<i32>} : memref<1024xi32, #tpu.memory_space<vmem>>, vector<16xi32>,
    %sub3A_542 = vector.broadcast %sub3A : i32 to vector<16xi32>
    %sub3A_543 = arith.subi %get3A_541, %sub3A_542 : vector<16xi32>
    %ge3A_544 = arith.constant 0 : i32
    %ge3A_545 = vector.broadcast %ge3A_544 : i32 to vector<16xi32>
    %ge3A_546 = arith.cmpi sge, %sub3A_543, %ge3A_545 : vector<16xi32>
    %lt3A_547 = arith.constant 1024 : i32
    %lt3A_548 = vector.broadcast %lt3A_547 : i32 to vector<16xi32>
    %lt3A_549 = arith.cmpi slt, %sub3A_543, %lt3A_548 : vector<16xi32>
    %and3A_550 = arith.andi %ge3A_546, %lt3A_549 : vector<16xi1>
    %max3A_551 = arith.constant 0 : i32
    %max3A_552 = vector.broadcast %max3A_551 : i32 to vector<16xi32>
    %max3A_553 = arith.maxsi %sub3A_543, %max3A_552 : vector<16xi32>
    %min3A_554 = arith.constant 1023 : i32
    %min3A_555 = vector.broadcast %min3A_554 : i32 to vector<16xi32>
    %min3A_556 = arith.minsi %max3A_553, %min3A_555 : vector<16xi32>
    tpu.vector_store_idx %arg5[%min3A_556], %broadcast_in_dim3A_10 masked %and3A_550 : memref<1024xf32, #tpu.memory_space<vmem>>[vector<16xi32>], vector<16xf32>, vector<16xi1>
    %get3A_557 = arith.constant 400 : index
    %get3A_558 = tpu.vector_load %arg4[%get3A_557] {strides = array<i32>} : memref<1024xi32, #tpu.memory_space<vmem>>, vector<16xi32>,
    %sub3A_559 = vector.broadcast %sub3A : i32 to vector<16xi32>
    %sub3A_560 = arith.subi %get3A_558, %sub3A_559 : vector<16xi32>
    %ge3A_561 = arith.constant 0 : i32
    %ge3A_562 = vector.broadcast %ge3A_561 : i32 to vector<16xi32>
    %ge3A_563 = arith.cmpi sge, %sub3A_560, %ge3A_562 : vector<16xi32>
    %lt3A_564 = arith.constant 1024 : i32
    %lt3A_565 = vector.broadcast %lt3A_564 : i32 to vector<16xi32>
    %lt3A_566 = arith.cmpi slt, %sub3A_560, %lt3A_565 : vector<16xi32>
    %and3A_567 = arith.andi %ge3A_563, %lt3A_566 : vector<16xi1>
    %max3A_568 = arith.constant 0 : i32
    %max3A_569 = vector.broadcast %max3A_568 : i32 to vector<16xi32>
    %max3A_570 = arith.maxsi %sub3A_560, %max3A_569 : vector<16xi32>
    %min3A_571 = arith.constant 1023 : i32
    %min3A_572 = vector.broadcast %min3A_571 : i32 to vector<16xi32>
    %min3A_573 = arith.minsi %max3A_570, %min3A_572 : vector<16xi32>
    tpu.vector_store_idx %arg5[%min3A_573], %broadcast_in_dim3A_10 masked %and3A_567 : memref<1024xf32, #tpu.memory_space<vmem>>[vector<16xi32>], vector<16xf32>, vector<16xi1>
    %get3A_574 = arith.constant 416 : index
    %get3A_575 = tpu.vector_load %arg4[%get3A_574] {strides = array<i32>} : memref<1024xi32, #tpu.memory_space<vmem>>, vector<16xi32>,
    %sub3A_576 = vector.broadcast %sub3A : i32 to vector<16xi32>
    %sub3A_577 = arith.subi %get3A_575, %sub3A_576 : vector<16xi32>
    %ge3A_578 = arith.constant 0 : i32
    %ge3A_579 = vector.broadcast %ge3A_578 : i32 to vector<16xi32>
    %ge3A_580 = arith.cmpi sge, %sub3A_577, %ge3A_579 : vector<16xi32>
    %lt3A_581 = arith.constant 1024 : i32
    %lt3A_582 = vector.broadcast %lt3A_581 : i32 to vector<16xi32>
    %lt3A_583 = arith.cmpi slt, %sub3A_577, %lt3A_582 : vector<16xi32>
    %and3A_584 = arith.andi %ge3A_580, %lt3A_583 : vector<16xi1>
    %max3A_585 = arith.constant 0 : i32
    %max3A_586 = vector.broadcast %max3A_585 : i32 to vector<16xi32>
    %max3A_587 = arith.maxsi %sub3A_577, %max3A_586 : vector<16xi32>
    %min3A_588 = arith.constant 1023 : i32
    %min3A_589 = vector.broadcast %min3A_588 : i32 to vector<16xi32>
    %min3A_590 = arith.minsi %max3A_587, %min3A_589 : vector<16xi32>
    tpu.vector_store_idx %arg5[%min3A_590], %broadcast_in_dim3A_10 masked %and3A_584 : memref<1024xf32, #tpu.memory_space<vmem>>[vector<16xi32>], vector<16xf32>, vector<16xi1>
    %get3A_591 = arith.constant 432 : index
    %get3A_592 = tpu.vector_load %arg4[%get3A_591] {strides = array<i32>} : memref<1024xi32, #tpu.memory_space<vmem>>, vector<16xi32>,
    %sub3A_593 = vector.broadcast %sub3A : i32 to vector<16xi32>
    %sub3A_594 = arith.subi %get3A_592, %sub3A_593 : vector<16xi32>
    %ge3A_595 = arith.constant 0 : i32
    %ge3A_596 = vector.broadcast %ge3A_595 : i32 to vector<16xi32>
    %ge3A_597 = arith.cmpi sge, %sub3A_594, %ge3A_596 : vector<16xi32>
    %lt3A_598 = arith.constant 1024 : i32
    %lt3A_599 = vector.broadcast %lt3A_598 : i32 to vector<16xi32>
    %lt3A_600 = arith.cmpi slt, %sub3A_594, %lt3A_599 : vector<16xi32>
    %and3A_601 = arith.andi %ge3A_597, %lt3A_600 : vector<16xi1>
    %max3A_602 = arith.constant 0 : i32
    %max3A_603 = vector.broadcast %max3A_602 : i32 to vector<16xi32>
    %max3A_604 = arith.maxsi %sub3A_594, %max3A_603 : vector<16xi32>
    %min3A_605 = arith.constant 1023 : i32
    %min3A_606 = vector.broadcast %min3A_605 : i32 to vector<16xi32>
    %min3A_607 = arith.minsi %max3A_604, %min3A_606 : vector<16xi32>
    tpu.vector_store_idx %arg5[%min3A_607], %broadcast_in_dim3A_10 masked %and3A_601 : memref<1024xf32, #tpu.memory_space<vmem>>[vector<16xi32>], vector<16xf32>, vector<16xi1>
    %get3A_608 = arith.constant 448 : index
    %get3A_609 = tpu.vector_load %arg4[%get3A_608] {strides = array<i32>} : memref<1024xi32, #tpu.memory_space<vmem>>, vector<16xi32>,
    %sub3A_610 = vector.broadcast %sub3A : i32 to vector<16xi32>
    %sub3A_611 = arith.subi %get3A_609, %sub3A_610 : vector<16xi32>
    %ge3A_612 = arith.constant 0 : i32
    %ge3A_613 = vector.broadcast %ge3A_612 : i32 to vector<16xi32>
    %ge3A_614 = arith.cmpi sge, %sub3A_611, %ge3A_613 : vector<16xi32>
    %lt3A_615 = arith.constant 1024 : i32
    %lt3A_616 = vector.broadcast %lt3A_615 : i32 to vector<16xi32>
    %lt3A_617 = arith.cmpi slt, %sub3A_611, %lt3A_616 : vector<16xi32>
    %and3A_618 = arith.andi %ge3A_614, %lt3A_617 : vector<16xi1>
    %max3A_619 = arith.constant 0 : i32
    %max3A_620 = vector.broadcast %max3A_619 : i32 to vector<16xi32>
    %max3A_621 = arith.maxsi %sub3A_611, %max3A_620 : vector<16xi32>
    %min3A_622 = arith.constant 1023 : i32
    %min3A_623 = vector.broadcast %min3A_622 : i32 to vector<16xi32>
    %min3A_624 = arith.minsi %max3A_621, %min3A_623 : vector<16xi32>
    tpu.vector_store_idx %arg5[%min3A_624], %broadcast_in_dim3A_10 masked %and3A_618 : memref<1024xf32, #tpu.memory_space<vmem>>[vector<16xi32>], vector<16xf32>, vector<16xi1>
    %get3A_625 = arith.constant 464 : index
    %get3A_626 = tpu.vector_load %arg4[%get3A_625] {strides = array<i32>} : memref<1024xi32, #tpu.memory_space<vmem>>, vector<16xi32>,
    %sub3A_627 = vector.broadcast %sub3A : i32 to vector<16xi32>
    %sub3A_628 = arith.subi %get3A_626, %sub3A_627 : vector<16xi32>
    %ge3A_629 = arith.constant 0 : i32
    %ge3A_630 = vector.broadcast %ge3A_629 : i32 to vector<16xi32>
    %ge3A_631 = arith.cmpi sge, %sub3A_628, %ge3A_630 : vector<16xi32>
    %lt3A_632 = arith.constant 1024 : i32
    %lt3A_633 = vector.broadcast %lt3A_632 : i32 to vector<16xi32>
    %lt3A_634 = arith.cmpi slt, %sub3A_628, %lt3A_633 : vector<16xi32>
    %and3A_635 = arith.andi %ge3A_631, %lt3A_634 : vector<16xi1>
    %max3A_636 = arith.constant 0 : i32
    %max3A_637 = vector.broadcast %max3A_636 : i32 to vector<16xi32>
    %max3A_638 = arith.maxsi %sub3A_628, %max3A_637 : vector<16xi32>
    %min3A_639 = arith.constant 1023 : i32
    %min3A_640 = vector.broadcast %min3A_639 : i32 to vector<16xi32>
    %min3A_641 = arith.minsi %max3A_638, %min3A_640 : vector<16xi32>
    tpu.vector_store_idx %arg5[%min3A_641], %broadcast_in_dim3A_10 masked %and3A_635 : memref<1024xf32, #tpu.memory_space<vmem>>[vector<16xi32>], vector<16xf32>, vector<16xi1>
    %get3A_642 = arith.constant 480 : index
    %get3A_643 = tpu.vector_load %arg4[%get3A_642] {strides = array<i32>} : memref<1024xi32, #tpu.memory_space<vmem>>, vector<16xi32>,
    %sub3A_644 = vector.broadcast %sub3A : i32 to vector<16xi32>
    %sub3A_645 = arith.subi %get3A_643, %sub3A_644 : vector<16xi32>
    %ge3A_646 = arith.constant 0 : i32
    %ge3A_647 = vector.broadcast %ge3A_646 : i32 to vector<16xi32>
    %ge3A_648 = arith.cmpi sge, %sub3A_645, %ge3A_647 : vector<16xi32>
    %lt3A_649 = arith.constant 1024 : i32
    %lt3A_650 = vector.broadcast %lt3A_649 : i32 to vector<16xi32>
    %lt3A_651 = arith.cmpi slt, %sub3A_645, %lt3A_650 : vector<16xi32>
    %and3A_652 = arith.andi %ge3A_648, %lt3A_651 : vector<16xi1>
    %max3A_653 = arith.constant 0 : i32
    %max3A_654 = vector.broadcast %max3A_653 : i32 to vector<16xi32>
    %max3A_655 = arith.maxsi %sub3A_645, %max3A_654 : vector<16xi32>
    %min3A_656 = arith.constant 1023 : i32
    %min3A_657 = vector.broadcast %min3A_656 : i32 to vector<16xi32>
    %min3A_658 = arith.minsi %max3A_655, %min3A_657 : vector<16xi32>
    tpu.vector_store_idx %arg5[%min3A_658], %broadcast_in_dim3A_10 masked %and3A_652 : memref<1024xf32, #tpu.memory_space<vmem>>[vector<16xi32>], vector<16xf32>, vector<16xi1>
    %get3A_659 = arith.constant 496 : index
    %get3A_660 = tpu.vector_load %arg4[%get3A_659] {strides = array<i32>} : memref<1024xi32, #tpu.memory_space<vmem>>, vector<16xi32>,
    %sub3A_661 = vector.broadcast %sub3A : i32 to vector<16xi32>
    %sub3A_662 = arith.subi %get3A_660, %sub3A_661 : vector<16xi32>
    %ge3A_663 = arith.constant 0 : i32
    %ge3A_664 = vector.broadcast %ge3A_663 : i32 to vector<16xi32>
    %ge3A_665 = arith.cmpi sge, %sub3A_662, %ge3A_664 : vector<16xi32>
    %lt3A_666 = arith.constant 1024 : i32
    %lt3A_667 = vector.broadcast %lt3A_666 : i32 to vector<16xi32>
    %lt3A_668 = arith.cmpi slt, %sub3A_662, %lt3A_667 : vector<16xi32>
    %and3A_669 = arith.andi %ge3A_665, %lt3A_668 : vector<16xi1>
    %max3A_670 = arith.constant 0 : i32
    %max3A_671 = vector.broadcast %max3A_670 : i32 to vector<16xi32>
    %max3A_672 = arith.maxsi %sub3A_662, %max3A_671 : vector<16xi32>
    %min3A_673 = arith.constant 1023 : i32
    %min3A_674 = vector.broadcast %min3A_673 : i32 to vector<16xi32>
    %min3A_675 = arith.minsi %max3A_672, %min3A_674 : vector<16xi32>
    tpu.vector_store_idx %arg5[%min3A_675], %broadcast_in_dim3A_10 masked %and3A_669 : memref<1024xf32, #tpu.memory_space<vmem>>[vector<16xi32>], vector<16xf32>, vector<16xi1>
    %get3A_676 = arith.constant 512 : index
    %get3A_677 = tpu.vector_load %arg4[%get3A_676] {strides = array<i32>} : memref<1024xi32, #tpu.memory_space<vmem>>, vector<16xi32>,
    %sub3A_678 = vector.broadcast %sub3A : i32 to vector<16xi32>
    %sub3A_679 = arith.subi %get3A_677, %sub3A_678 : vector<16xi32>
    %ge3A_680 = arith.constant 0 : i32
    %ge3A_681 = vector.broadcast %ge3A_680 : i32 to vector<16xi32>
    %ge3A_682 = arith.cmpi sge, %sub3A_679, %ge3A_681 : vector<16xi32>
    %lt3A_683 = arith.constant 1024 : i32
    %lt3A_684 = vector.broadcast %lt3A_683 : i32 to vector<16xi32>
    %lt3A_685 = arith.cmpi slt, %sub3A_679, %lt3A_684 : vector<16xi32>
    %and3A_686 = arith.andi %ge3A_682, %lt3A_685 : vector<16xi1>
    %max3A_687 = arith.constant 0 : i32
    %max3A_688 = vector.broadcast %max3A_687 : i32 to vector<16xi32>
    %max3A_689 = arith.maxsi %sub3A_679, %max3A_688 : vector<16xi32>
    %min3A_690 = arith.constant 1023 : i32
    %min3A_691 = vector.broadcast %min3A_690 : i32 to vector<16xi32>
    %min3A_692 = arith.minsi %max3A_689, %min3A_691 : vector<16xi32>
    tpu.vector_store_idx %arg5[%min3A_692], %broadcast_in_dim3A_10 masked %and3A_686 : memref<1024xf32, #tpu.memory_space<vmem>>[vector<16xi32>], vector<16xf32>, vector<16xi1>
    %get3A_693 = arith.constant 528 : index
    %get3A_694 = tpu.vector_load %arg4[%get3A_693] {strides = array<i32>} : memref<1024xi32, #tpu.memory_space<vmem>>, vector<16xi32>,
    %sub3A_695 = vector.broadcast %sub3A : i32 to vector<16xi32>
    %sub3A_696 = arith.subi %get3A_694, %sub3A_695 : vector<16xi32>
    %ge3A_697 = arith.constant 0 : i32
    %ge3A_698 = vector.broadcast %ge3A_697 : i32 to vector<16xi32>
    %ge3A_699 = arith.cmpi sge, %sub3A_696, %ge3A_698 : vector<16xi32>
    %lt3A_700 = arith.constant 1024 : i32
    %lt3A_701 = vector.broadcast %lt3A_700 : i32 to vector<16xi32>
    %lt3A_702 = arith.cmpi slt, %sub3A_696, %lt3A_701 : vector<16xi32>
    %and3A_703 = arith.andi %ge3A_699, %lt3A_702 : vector<16xi1>
    %max3A_704 = arith.constant 0 : i32
    %max3A_705 = vector.broadcast %max3A_704 : i32 to vector<16xi32>
    %max3A_706 = arith.maxsi %sub3A_696, %max3A_705 : vector<16xi32>
    %min3A_707 = arith.constant 1023 : i32
    %min3A_708 = vector.broadcast %min3A_707 : i32 to vector<16xi32>
    %min3A_709 = arith.minsi %max3A_706, %min3A_708 : vector<16xi32>
    tpu.vector_store_idx %arg5[%min3A_709], %broadcast_in_dim3A_10 masked %and3A_703 : memref<1024xf32, #tpu.memory_space<vmem>>[vector<16xi32>], vector<16xf32>, vector<16xi1>
    %get3A_710 = arith.constant 544 : index
    %get3A_711 = tpu.vector_load %arg4[%get3A_710] {strides = array<i32>} : memref<1024xi32, #tpu.memory_space<vmem>>, vector<16xi32>,
    %sub3A_712 = vector.broadcast %sub3A : i32 to vector<16xi32>
    %sub3A_713 = arith.subi %get3A_711, %sub3A_712 : vector<16xi32>
    %ge3A_714 = arith.constant 0 : i32
    %ge3A_715 = vector.broadcast %ge3A_714 : i32 to vector<16xi32>
    %ge3A_716 = arith.cmpi sge, %sub3A_713, %ge3A_715 : vector<16xi32>
    %lt3A_717 = arith.constant 1024 : i32
    %lt3A_718 = vector.broadcast %lt3A_717 : i32 to vector<16xi32>
    %lt3A_719 = arith.cmpi slt, %sub3A_713, %lt3A_718 : vector<16xi32>
    %and3A_720 = arith.andi %ge3A_716, %lt3A_719 : vector<16xi1>
    %max3A_721 = arith.constant 0 : i32
    %max3A_722 = vector.broadcast %max3A_721 : i32 to vector<16xi32>
    %max3A_723 = arith.maxsi %sub3A_713, %max3A_722 : vector<16xi32>
    %min3A_724 = arith.constant 1023 : i32
    %min3A_725 = vector.broadcast %min3A_724 : i32 to vector<16xi32>
    %min3A_726 = arith.minsi %max3A_723, %min3A_725 : vector<16xi32>
    tpu.vector_store_idx %arg5[%min3A_726], %broadcast_in_dim3A_10 masked %and3A_720 : memref<1024xf32, #tpu.memory_space<vmem>>[vector<16xi32>], vector<16xf32>, vector<16xi1>
    %get3A_727 = arith.constant 560 : index
    %get3A_728 = tpu.vector_load %arg4[%get3A_727] {strides = array<i32>} : memref<1024xi32, #tpu.memory_space<vmem>>, vector<16xi32>,
    %sub3A_729 = vector.broadcast %sub3A : i32 to vector<16xi32>
    %sub3A_730 = arith.subi %get3A_728, %sub3A_729 : vector<16xi32>
    %ge3A_731 = arith.constant 0 : i32
    %ge3A_732 = vector.broadcast %ge3A_731 : i32 to vector<16xi32>
    %ge3A_733 = arith.cmpi sge, %sub3A_730, %ge3A_732 : vector<16xi32>
    %lt3A_734 = arith.constant 1024 : i32
    %lt3A_735 = vector.broadcast %lt3A_734 : i32 to vector<16xi32>
    %lt3A_736 = arith.cmpi slt, %sub3A_730, %lt3A_735 : vector<16xi32>
    %and3A_737 = arith.andi %ge3A_733, %lt3A_736 : vector<16xi1>
    %max3A_738 = arith.constant 0 : i32
    %max3A_739 = vector.broadcast %max3A_738 : i32 to vector<16xi32>
    %max3A_740 = arith.maxsi %sub3A_730, %max3A_739 : vector<16xi32>
    %min3A_741 = arith.constant 1023 : i32
    %min3A_742 = vector.broadcast %min3A_741 : i32 to vector<16xi32>
    %min3A_743 = arith.minsi %max3A_740, %min3A_742 : vector<16xi32>
    tpu.vector_store_idx %arg5[%min3A_743], %broadcast_in_dim3A_10 masked %and3A_737 : memref<1024xf32, #tpu.memory_space<vmem>>[vector<16xi32>], vector<16xf32>, vector<16xi1>
    %get3A_744 = arith.constant 576 : index
    %get3A_745 = tpu.vector_load %arg4[%get3A_744] {strides = array<i32>} : memref<1024xi32, #tpu.memory_space<vmem>>, vector<16xi32>,
    %sub3A_746 = vector.broadcast %sub3A : i32 to vector<16xi32>
    %sub3A_747 = arith.subi %get3A_745, %sub3A_746 : vector<16xi32>
    %ge3A_748 = arith.constant 0 : i32
    %ge3A_749 = vector.broadcast %ge3A_748 : i32 to vector<16xi32>
    %ge3A_750 = arith.cmpi sge, %sub3A_747, %ge3A_749 : vector<16xi32>
    %lt3A_751 = arith.constant 1024 : i32
    %lt3A_752 = vector.broadcast %lt3A_751 : i32 to vector<16xi32>
    %lt3A_753 = arith.cmpi slt, %sub3A_747, %lt3A_752 : vector<16xi32>
    %and3A_754 = arith.andi %ge3A_750, %lt3A_753 : vector<16xi1>
    %max3A_755 = arith.constant 0 : i32
    %max3A_756 = vector.broadcast %max3A_755 : i32 to vector<16xi32>
    %max3A_757 = arith.maxsi %sub3A_747, %max3A_756 : vector<16xi32>
    %min3A_758 = arith.constant 1023 : i32
    %min3A_759 = vector.broadcast %min3A_758 : i32 to vector<16xi32>
    %min3A_760 = arith.minsi %max3A_757, %min3A_759 : vector<16xi32>
    tpu.vector_store_idx %arg5[%min3A_760], %broadcast_in_dim3A_10 masked %and3A_754 : memref<1024xf32, #tpu.memory_space<vmem>>[vector<16xi32>], vector<16xf32>, vector<16xi1>
    %get3A_761 = arith.constant 592 : index
    %get3A_762 = tpu.vector_load %arg4[%get3A_761] {strides = array<i32>} : memref<1024xi32, #tpu.memory_space<vmem>>, vector<16xi32>,
    %sub3A_763 = vector.broadcast %sub3A : i32 to vector<16xi32>
    %sub3A_764 = arith.subi %get3A_762, %sub3A_763 : vector<16xi32>
    %ge3A_765 = arith.constant 0 : i32
    %ge3A_766 = vector.broadcast %ge3A_765 : i32 to vector<16xi32>
    %ge3A_767 = arith.cmpi sge, %sub3A_764, %ge3A_766 : vector<16xi32>
    %lt3A_768 = arith.constant 1024 : i32
    %lt3A_769 = vector.broadcast %lt3A_768 : i32 to vector<16xi32>
    %lt3A_770 = arith.cmpi slt, %sub3A_764, %lt3A_769 : vector<16xi32>
    %and3A_771 = arith.andi %ge3A_767, %lt3A_770 : vector<16xi1>
    %max3A_772 = arith.constant 0 : i32
    %max3A_773 = vector.broadcast %max3A_772 : i32 to vector<16xi32>
    %max3A_774 = arith.maxsi %sub3A_764, %max3A_773 : vector<16xi32>
    %min3A_775 = arith.constant 1023 : i32
    %min3A_776 = vector.broadcast %min3A_775 : i32 to vector<16xi32>
    %min3A_777 = arith.minsi %max3A_774, %min3A_776 : vector<16xi32>
    tpu.vector_store_idx %arg5[%min3A_777], %broadcast_in_dim3A_10 masked %and3A_771 : memref<1024xf32, #tpu.memory_space<vmem>>[vector<16xi32>], vector<16xf32>, vector<16xi1>
    %get3A_778 = arith.constant 608 : index
    %get3A_779 = tpu.vector_load %arg4[%get3A_778] {strides = array<i32>} : memref<1024xi32, #tpu.memory_space<vmem>>, vector<16xi32>,
    %sub3A_780 = vector.broadcast %sub3A : i32 to vector<16xi32>
    %sub3A_781 = arith.subi %get3A_779, %sub3A_780 : vector<16xi32>
    %ge3A_782 = arith.constant 0 : i32
    %ge3A_783 = vector.broadcast %ge3A_782 : i32 to vector<16xi32>
    %ge3A_784 = arith.cmpi sge, %sub3A_781, %ge3A_783 : vector<16xi32>
    %lt3A_785 = arith.constant 1024 : i32
    %lt3A_786 = vector.broadcast %lt3A_785 : i32 to vector<16xi32>
    %lt3A_787 = arith.cmpi slt, %sub3A_781, %lt3A_786 : vector<16xi32>
    %and3A_788 = arith.andi %ge3A_784, %lt3A_787 : vector<16xi1>
    %max3A_789 = arith.constant 0 : i32
    %max3A_790 = vector.broadcast %max3A_789 : i32 to vector<16xi32>
    %max3A_791 = arith.maxsi %sub3A_781, %max3A_790 : vector<16xi32>
    %min3A_792 = arith.constant 1023 : i32
    %min3A_793 = vector.broadcast %min3A_792 : i32 to vector<16xi32>
    %min3A_794 = arith.minsi %max3A_791, %min3A_793 : vector<16xi32>
    tpu.vector_store_idx %arg5[%min3A_794], %broadcast_in_dim3A_10 masked %and3A_788 : memref<1024xf32, #tpu.memory_space<vmem>>[vector<16xi32>], vector<16xf32>, vector<16xi1>
    %get3A_795 = arith.constant 624 : index
    %get3A_796 = tpu.vector_load %arg4[%get3A_795] {strides = array<i32>} : memref<1024xi32, #tpu.memory_space<vmem>>, vector<16xi32>,
    %sub3A_797 = vector.broadcast %sub3A : i32 to vector<16xi32>
    %sub3A_798 = arith.subi %get3A_796, %sub3A_797 : vector<16xi32>
    %ge3A_799 = arith.constant 0 : i32
    %ge3A_800 = vector.broadcast %ge3A_799 : i32 to vector<16xi32>
    %ge3A_801 = arith.cmpi sge, %sub3A_798, %ge3A_800 : vector<16xi32>
    %lt3A_802 = arith.constant 1024 : i32
    %lt3A_803 = vector.broadcast %lt3A_802 : i32 to vector<16xi32>
    %lt3A_804 = arith.cmpi slt, %sub3A_798, %lt3A_803 : vector<16xi32>
    %and3A_805 = arith.andi %ge3A_801, %lt3A_804 : vector<16xi1>
    %max3A_806 = arith.constant 0 : i32
    %max3A_807 = vector.broadcast %max3A_806 : i32 to vector<16xi32>
    %max3A_808 = arith.maxsi %sub3A_798, %max3A_807 : vector<16xi32>
    %min3A_809 = arith.constant 1023 : i32
    %min3A_810 = vector.broadcast %min3A_809 : i32 to vector<16xi32>
    %min3A_811 = arith.minsi %max3A_808, %min3A_810 : vector<16xi32>
    tpu.vector_store_idx %arg5[%min3A_811], %broadcast_in_dim3A_10 masked %and3A_805 : memref<1024xf32, #tpu.memory_space<vmem>>[vector<16xi32>], vector<16xf32>, vector<16xi1>
    %get3A_812 = arith.constant 640 : index
    %get3A_813 = tpu.vector_load %arg4[%get3A_812] {strides = array<i32>} : memref<1024xi32, #tpu.memory_space<vmem>>, vector<16xi32>,
    %sub3A_814 = vector.broadcast %sub3A : i32 to vector<16xi32>
    %sub3A_815 = arith.subi %get3A_813, %sub3A_814 : vector<16xi32>
    %ge3A_816 = arith.constant 0 : i32
    %ge3A_817 = vector.broadcast %ge3A_816 : i32 to vector<16xi32>
    %ge3A_818 = arith.cmpi sge, %sub3A_815, %ge3A_817 : vector<16xi32>
    %lt3A_819 = arith.constant 1024 : i32
    %lt3A_820 = vector.broadcast %lt3A_819 : i32 to vector<16xi32>
    %lt3A_821 = arith.cmpi slt, %sub3A_815, %lt3A_820 : vector<16xi32>
    %and3A_822 = arith.andi %ge3A_818, %lt3A_821 : vector<16xi1>
    %max3A_823 = arith.constant 0 : i32
    %max3A_824 = vector.broadcast %max3A_823 : i32 to vector<16xi32>
    %max3A_825 = arith.maxsi %sub3A_815, %max3A_824 : vector<16xi32>
    %min3A_826 = arith.constant 1023 : i32
    %min3A_827 = vector.broadcast %min3A_826 : i32 to vector<16xi32>
    %min3A_828 = arith.minsi %max3A_825, %min3A_827 : vector<16xi32>
    tpu.vector_store_idx %arg5[%min3A_828], %broadcast_in_dim3A_10 masked %and3A_822 : memref<1024xf32, #tpu.memory_space<vmem>>[vector<16xi32>], vector<16xf32>, vector<16xi1>
    %get3A_829 = arith.constant 656 : index
    %get3A_830 = tpu.vector_load %arg4[%get3A_829] {strides = array<i32>} : memref<1024xi32, #tpu.memory_space<vmem>>, vector<16xi32>,
    %sub3A_831 = vector.broadcast %sub3A : i32 to vector<16xi32>
    %sub3A_832 = arith.subi %get3A_830, %sub3A_831 : vector<16xi32>
    %ge3A_833 = arith.constant 0 : i32
    %ge3A_834 = vector.broadcast %ge3A_833 : i32 to vector<16xi32>
    %ge3A_835 = arith.cmpi sge, %sub3A_832, %ge3A_834 : vector<16xi32>
    %lt3A_836 = arith.constant 1024 : i32
    %lt3A_837 = vector.broadcast %lt3A_836 : i32 to vector<16xi32>
    %lt3A_838 = arith.cmpi slt, %sub3A_832, %lt3A_837 : vector<16xi32>
    %and3A_839 = arith.andi %ge3A_835, %lt3A_838 : vector<16xi1>
    %max3A_840 = arith.constant 0 : i32
    %max3A_841 = vector.broadcast %max3A_840 : i32 to vector<16xi32>
    %max3A_842 = arith.maxsi %sub3A_832, %max3A_841 : vector<16xi32>
    %min3A_843 = arith.constant 1023 : i32
    %min3A_844 = vector.broadcast %min3A_843 : i32 to vector<16xi32>
    %min3A_845 = arith.minsi %max3A_842, %min3A_844 : vector<16xi32>
    tpu.vector_store_idx %arg5[%min3A_845], %broadcast_in_dim3A_10 masked %and3A_839 : memref<1024xf32, #tpu.memory_space<vmem>>[vector<16xi32>], vector<16xf32>, vector<16xi1>
    %get3A_846 = arith.constant 672 : index
    %get3A_847 = tpu.vector_load %arg4[%get3A_846] {strides = array<i32>} : memref<1024xi32, #tpu.memory_space<vmem>>, vector<16xi32>,
    %sub3A_848 = vector.broadcast %sub3A : i32 to vector<16xi32>
    %sub3A_849 = arith.subi %get3A_847, %sub3A_848 : vector<16xi32>
    %ge3A_850 = arith.constant 0 : i32
    %ge3A_851 = vector.broadcast %ge3A_850 : i32 to vector<16xi32>
    %ge3A_852 = arith.cmpi sge, %sub3A_849, %ge3A_851 : vector<16xi32>
    %lt3A_853 = arith.constant 1024 : i32
    %lt3A_854 = vector.broadcast %lt3A_853 : i32 to vector<16xi32>
    %lt3A_855 = arith.cmpi slt, %sub3A_849, %lt3A_854 : vector<16xi32>
    %and3A_856 = arith.andi %ge3A_852, %lt3A_855 : vector<16xi1>
    %max3A_857 = arith.constant 0 : i32
    %max3A_858 = vector.broadcast %max3A_857 : i32 to vector<16xi32>
    %max3A_859 = arith.maxsi %sub3A_849, %max3A_858 : vector<16xi32>
    %min3A_860 = arith.constant 1023 : i32
    %min3A_861 = vector.broadcast %min3A_860 : i32 to vector<16xi32>
    %min3A_862 = arith.minsi %max3A_859, %min3A_861 : vector<16xi32>
    tpu.vector_store_idx %arg5[%min3A_862], %broadcast_in_dim3A_10 masked %and3A_856 : memref<1024xf32, #tpu.memory_space<vmem>>[vector<16xi32>], vector<16xf32>, vector<16xi1>
    %get3A_863 = arith.constant 688 : index
    %get3A_864 = tpu.vector_load %arg4[%get3A_863] {strides = array<i32>} : memref<1024xi32, #tpu.memory_space<vmem>>, vector<16xi32>,
    %sub3A_865 = vector.broadcast %sub3A : i32 to vector<16xi32>
    %sub3A_866 = arith.subi %get3A_864, %sub3A_865 : vector<16xi32>
    %ge3A_867 = arith.constant 0 : i32
    %ge3A_868 = vector.broadcast %ge3A_867 : i32 to vector<16xi32>
    %ge3A_869 = arith.cmpi sge, %sub3A_866, %ge3A_868 : vector<16xi32>
    %lt3A_870 = arith.constant 1024 : i32
    %lt3A_871 = vector.broadcast %lt3A_870 : i32 to vector<16xi32>
    %lt3A_872 = arith.cmpi slt, %sub3A_866, %lt3A_871 : vector<16xi32>
    %and3A_873 = arith.andi %ge3A_869, %lt3A_872 : vector<16xi1>
    %max3A_874 = arith.constant 0 : i32
    %max3A_875 = vector.broadcast %max3A_874 : i32 to vector<16xi32>
    %max3A_876 = arith.maxsi %sub3A_866, %max3A_875 : vector<16xi32>
    %min3A_877 = arith.constant 1023 : i32
    %min3A_878 = vector.broadcast %min3A_877 : i32 to vector<16xi32>
    %min3A_879 = arith.minsi %max3A_876, %min3A_878 : vector<16xi32>
    tpu.vector_store_idx %arg5[%min3A_879], %broadcast_in_dim3A_10 masked %and3A_873 : memref<1024xf32, #tpu.memory_space<vmem>>[vector<16xi32>], vector<16xf32>, vector<16xi1>
    %get3A_880 = arith.constant 704 : index
    %get3A_881 = tpu.vector_load %arg4[%get3A_880] {strides = array<i32>} : memref<1024xi32, #tpu.memory_space<vmem>>, vector<16xi32>,
    %sub3A_882 = vector.broadcast %sub3A : i32 to vector<16xi32>
    %sub3A_883 = arith.subi %get3A_881, %sub3A_882 : vector<16xi32>
    %ge3A_884 = arith.constant 0 : i32
    %ge3A_885 = vector.broadcast %ge3A_884 : i32 to vector<16xi32>
    %ge3A_886 = arith.cmpi sge, %sub3A_883, %ge3A_885 : vector<16xi32>
    %lt3A_887 = arith.constant 1024 : i32
    %lt3A_888 = vector.broadcast %lt3A_887 : i32 to vector<16xi32>
    %lt3A_889 = arith.cmpi slt, %sub3A_883, %lt3A_888 : vector<16xi32>
    %and3A_890 = arith.andi %ge3A_886, %lt3A_889 : vector<16xi1>
    %max3A_891 = arith.constant 0 : i32
    %max3A_892 = vector.broadcast %max3A_891 : i32 to vector<16xi32>
    %max3A_893 = arith.maxsi %sub3A_883, %max3A_892 : vector<16xi32>
    %min3A_894 = arith.constant 1023 : i32
    %min3A_895 = vector.broadcast %min3A_894 : i32 to vector<16xi32>
    %min3A_896 = arith.minsi %max3A_893, %min3A_895 : vector<16xi32>
    tpu.vector_store_idx %arg5[%min3A_896], %broadcast_in_dim3A_10 masked %and3A_890 : memref<1024xf32, #tpu.memory_space<vmem>>[vector<16xi32>], vector<16xf32>, vector<16xi1>
    %get3A_897 = arith.constant 720 : index
    %get3A_898 = tpu.vector_load %arg4[%get3A_897] {strides = array<i32>} : memref<1024xi32, #tpu.memory_space<vmem>>, vector<16xi32>,
    %sub3A_899 = vector.broadcast %sub3A : i32 to vector<16xi32>
    %sub3A_900 = arith.subi %get3A_898, %sub3A_899 : vector<16xi32>
    %ge3A_901 = arith.constant 0 : i32
    %ge3A_902 = vector.broadcast %ge3A_901 : i32 to vector<16xi32>
    %ge3A_903 = arith.cmpi sge, %sub3A_900, %ge3A_902 : vector<16xi32>
    %lt3A_904 = arith.constant 1024 : i32
    %lt3A_905 = vector.broadcast %lt3A_904 : i32 to vector<16xi32>
    %lt3A_906 = arith.cmpi slt, %sub3A_900, %lt3A_905 : vector<16xi32>
    %and3A_907 = arith.andi %ge3A_903, %lt3A_906 : vector<16xi1>
    %max3A_908 = arith.constant 0 : i32
    %max3A_909 = vector.broadcast %max3A_908 : i32 to vector<16xi32>
    %max3A_910 = arith.maxsi %sub3A_900, %max3A_909 : vector<16xi32>
    %min3A_911 = arith.constant 1023 : i32
    %min3A_912 = vector.broadcast %min3A_911 : i32 to vector<16xi32>
    %min3A_913 = arith.minsi %max3A_910, %min3A_912 : vector<16xi32>
    tpu.vector_store_idx %arg5[%min3A_913], %broadcast_in_dim3A_10 masked %and3A_907 : memref<1024xf32, #tpu.memory_space<vmem>>[vector<16xi32>], vector<16xf32>, vector<16xi1>
    %get3A_914 = arith.constant 736 : index
    %get3A_915 = tpu.vector_load %arg4[%get3A_914] {strides = array<i32>} : memref<1024xi32, #tpu.memory_space<vmem>>, vector<16xi32>,
    %sub3A_916 = vector.broadcast %sub3A : i32 to vector<16xi32>
    %sub3A_917 = arith.subi %get3A_915, %sub3A_916 : vector<16xi32>
    %ge3A_918 = arith.constant 0 : i32
    %ge3A_919 = vector.broadcast %ge3A_918 : i32 to vector<16xi32>
    %ge3A_920 = arith.cmpi sge, %sub3A_917, %ge3A_919 : vector<16xi32>
    %lt3A_921 = arith.constant 1024 : i32
    %lt3A_922 = vector.broadcast %lt3A_921 : i32 to vector<16xi32>
    %lt3A_923 = arith.cmpi slt, %sub3A_917, %lt3A_922 : vector<16xi32>
    %and3A_924 = arith.andi %ge3A_920, %lt3A_923 : vector<16xi1>
    %max3A_925 = arith.constant 0 : i32
    %max3A_926 = vector.broadcast %max3A_925 : i32 to vector<16xi32>
    %max3A_927 = arith.maxsi %sub3A_917, %max3A_926 : vector<16xi32>
    %min3A_928 = arith.constant 1023 : i32
    %min3A_929 = vector.broadcast %min3A_928 : i32 to vector<16xi32>
    %min3A_930 = arith.minsi %max3A_927, %min3A_929 : vector<16xi32>
    tpu.vector_store_idx %arg5[%min3A_930], %broadcast_in_dim3A_10 masked %and3A_924 : memref<1024xf32, #tpu.memory_space<vmem>>[vector<16xi32>], vector<16xf32>, vector<16xi1>
    %get3A_931 = arith.constant 752 : index
    %get3A_932 = tpu.vector_load %arg4[%get3A_931] {strides = array<i32>} : memref<1024xi32, #tpu.memory_space<vmem>>, vector<16xi32>,
    %sub3A_933 = vector.broadcast %sub3A : i32 to vector<16xi32>
    %sub3A_934 = arith.subi %get3A_932, %sub3A_933 : vector<16xi32>
    %ge3A_935 = arith.constant 0 : i32
    %ge3A_936 = vector.broadcast %ge3A_935 : i32 to vector<16xi32>
    %ge3A_937 = arith.cmpi sge, %sub3A_934, %ge3A_936 : vector<16xi32>
    %lt3A_938 = arith.constant 1024 : i32
    %lt3A_939 = vector.broadcast %lt3A_938 : i32 to vector<16xi32>
    %lt3A_940 = arith.cmpi slt, %sub3A_934, %lt3A_939 : vector<16xi32>
    %and3A_941 = arith.andi %ge3A_937, %lt3A_940 : vector<16xi1>
    %max3A_942 = arith.constant 0 : i32
    %max3A_943 = vector.broadcast %max3A_942 : i32 to vector<16xi32>
    %max3A_944 = arith.maxsi %sub3A_934, %max3A_943 : vector<16xi32>
    %min3A_945 = arith.constant 1023 : i32
    %min3A_946 = vector.broadcast %min3A_945 : i32 to vector<16xi32>
    %min3A_947 = arith.minsi %max3A_944, %min3A_946 : vector<16xi32>
    tpu.vector_store_idx %arg5[%min3A_947], %broadcast_in_dim3A_10 masked %and3A_941 : memref<1024xf32, #tpu.memory_space<vmem>>[vector<16xi32>], vector<16xf32>, vector<16xi1>
    %get3A_948 = arith.constant 768 : index
    %get3A_949 = tpu.vector_load %arg4[%get3A_948] {strides = array<i32>} : memref<1024xi32, #tpu.memory_space<vmem>>, vector<16xi32>,
    %sub3A_950 = vector.broadcast %sub3A : i32 to vector<16xi32>
    %sub3A_951 = arith.subi %get3A_949, %sub3A_950 : vector<16xi32>
    %ge3A_952 = arith.constant 0 : i32
    %ge3A_953 = vector.broadcast %ge3A_952 : i32 to vector<16xi32>
    %ge3A_954 = arith.cmpi sge, %sub3A_951, %ge3A_953 : vector<16xi32>
    %lt3A_955 = arith.constant 1024 : i32
    %lt3A_956 = vector.broadcast %lt3A_955 : i32 to vector<16xi32>
    %lt3A_957 = arith.cmpi slt, %sub3A_951, %lt3A_956 : vector<16xi32>
    %and3A_958 = arith.andi %ge3A_954, %lt3A_957 : vector<16xi1>
    %max3A_959 = arith.constant 0 : i32
    %max3A_960 = vector.broadcast %max3A_959 : i32 to vector<16xi32>
    %max3A_961 = arith.maxsi %sub3A_951, %max3A_960 : vector<16xi32>
    %min3A_962 = arith.constant 1023 : i32
    %min3A_963 = vector.broadcast %min3A_962 : i32 to vector<16xi32>
    %min3A_964 = arith.minsi %max3A_961, %min3A_963 : vector<16xi32>
    tpu.vector_store_idx %arg5[%min3A_964], %broadcast_in_dim3A_10 masked %and3A_958 : memref<1024xf32, #tpu.memory_space<vmem>>[vector<16xi32>], vector<16xf32>, vector<16xi1>
    %get3A_965 = arith.constant 784 : index
    %get3A_966 = tpu.vector_load %arg4[%get3A_965] {strides = array<i32>} : memref<1024xi32, #tpu.memory_space<vmem>>, vector<16xi32>,
    %sub3A_967 = vector.broadcast %sub3A : i32 to vector<16xi32>
    %sub3A_968 = arith.subi %get3A_966, %sub3A_967 : vector<16xi32>
    %ge3A_969 = arith.constant 0 : i32
    %ge3A_970 = vector.broadcast %ge3A_969 : i32 to vector<16xi32>
    %ge3A_971 = arith.cmpi sge, %sub3A_968, %ge3A_970 : vector<16xi32>
    %lt3A_972 = arith.constant 1024 : i32
    %lt3A_973 = vector.broadcast %lt3A_972 : i32 to vector<16xi32>
    %lt3A_974 = arith.cmpi slt, %sub3A_968, %lt3A_973 : vector<16xi32>
    %and3A_975 = arith.andi %ge3A_971, %lt3A_974 : vector<16xi1>
    %max3A_976 = arith.constant 0 : i32
    %max3A_977 = vector.broadcast %max3A_976 : i32 to vector<16xi32>
    %max3A_978 = arith.maxsi %sub3A_968, %max3A_977 : vector<16xi32>
    %min3A_979 = arith.constant 1023 : i32
    %min3A_980 = vector.broadcast %min3A_979 : i32 to vector<16xi32>
    %min3A_981 = arith.minsi %max3A_978, %min3A_980 : vector<16xi32>
    tpu.vector_store_idx %arg5[%min3A_981], %broadcast_in_dim3A_10 masked %and3A_975 : memref<1024xf32, #tpu.memory_space<vmem>>[vector<16xi32>], vector<16xf32>, vector<16xi1>
    %get3A_982 = arith.constant 800 : index
    %get3A_983 = tpu.vector_load %arg4[%get3A_982] {strides = array<i32>} : memref<1024xi32, #tpu.memory_space<vmem>>, vector<16xi32>,
    %sub3A_984 = vector.broadcast %sub3A : i32 to vector<16xi32>
    %sub3A_985 = arith.subi %get3A_983, %sub3A_984 : vector<16xi32>
    %ge3A_986 = arith.constant 0 : i32
    %ge3A_987 = vector.broadcast %ge3A_986 : i32 to vector<16xi32>
    %ge3A_988 = arith.cmpi sge, %sub3A_985, %ge3A_987 : vector<16xi32>
    %lt3A_989 = arith.constant 1024 : i32
    %lt3A_990 = vector.broadcast %lt3A_989 : i32 to vector<16xi32>
    %lt3A_991 = arith.cmpi slt, %sub3A_985, %lt3A_990 : vector<16xi32>
    %and3A_992 = arith.andi %ge3A_988, %lt3A_991 : vector<16xi1>
    %max3A_993 = arith.constant 0 : i32
    %max3A_994 = vector.broadcast %max3A_993 : i32 to vector<16xi32>
    %max3A_995 = arith.maxsi %sub3A_985, %max3A_994 : vector<16xi32>
    %min3A_996 = arith.constant 1023 : i32
    %min3A_997 = vector.broadcast %min3A_996 : i32 to vector<16xi32>
    %min3A_998 = arith.minsi %max3A_995, %min3A_997 : vector<16xi32>
    tpu.vector_store_idx %arg5[%min3A_998], %broadcast_in_dim3A_10 masked %and3A_992 : memref<1024xf32, #tpu.memory_space<vmem>>[vector<16xi32>], vector<16xf32>, vector<16xi1>
    %get3A_999 = arith.constant 816 : index
    %get3A_1000 = tpu.vector_load %arg4[%get3A_999] {strides = array<i32>} : memref<1024xi32, #tpu.memory_space<vmem>>, vector<16xi32>,
    %sub3A_1001 = vector.broadcast %sub3A : i32 to vector<16xi32>
    %sub3A_1002 = arith.subi %get3A_1000, %sub3A_1001 : vector<16xi32>
    %ge3A_1003 = arith.constant 0 : i32
    %ge3A_1004 = vector.broadcast %ge3A_1003 : i32 to vector<16xi32>
    %ge3A_1005 = arith.cmpi sge, %sub3A_1002, %ge3A_1004 : vector<16xi32>
    %lt3A_1006 = arith.constant 1024 : i32
    %lt3A_1007 = vector.broadcast %lt3A_1006 : i32 to vector<16xi32>
    %lt3A_1008 = arith.cmpi slt, %sub3A_1002, %lt3A_1007 : vector<16xi32>
    %and3A_1009 = arith.andi %ge3A_1005, %lt3A_1008 : vector<16xi1>
    %max3A_1010 = arith.constant 0 : i32
    %max3A_1011 = vector.broadcast %max3A_1010 : i32 to vector<16xi32>
    %max3A_1012 = arith.maxsi %sub3A_1002, %max3A_1011 : vector<16xi32>
    %min3A_1013 = arith.constant 1023 : i32
    %min3A_1014 = vector.broadcast %min3A_1013 : i32 to vector<16xi32>
    %min3A_1015 = arith.minsi %max3A_1012, %min3A_1014 : vector<16xi32>
    tpu.vector_store_idx %arg5[%min3A_1015], %broadcast_in_dim3A_10 masked %and3A_1009 : memref<1024xf32, #tpu.memory_space<vmem>>[vector<16xi32>], vector<16xf32>, vector<16xi1>
    %get3A_1016 = arith.constant 832 : index
    %get3A_1017 = tpu.vector_load %arg4[%get3A_1016] {strides = array<i32>} : memref<1024xi32, #tpu.memory_space<vmem>>, vector<16xi32>,
    %sub3A_1018 = vector.broadcast %sub3A : i32 to vector<16xi32>
    %sub3A_1019 = arith.subi %get3A_1017, %sub3A_1018 : vector<16xi32>
    %ge3A_1020 = arith.constant 0 : i32
    %ge3A_1021 = vector.broadcast %ge3A_1020 : i32 to vector<16xi32>
    %ge3A_1022 = arith.cmpi sge, %sub3A_1019, %ge3A_1021 : vector<16xi32>
    %lt3A_1023 = arith.constant 1024 : i32
    %lt3A_1024 = vector.broadcast %lt3A_1023 : i32 to vector<16xi32>
    %lt3A_1025 = arith.cmpi slt, %sub3A_1019, %lt3A_1024 : vector<16xi32>
    %and3A_1026 = arith.andi %ge3A_1022, %lt3A_1025 : vector<16xi1>
    %max3A_1027 = arith.constant 0 : i32
    %max3A_1028 = vector.broadcast %max3A_1027 : i32 to vector<16xi32>
    %max3A_1029 = arith.maxsi %sub3A_1019, %max3A_1028 : vector<16xi32>
    %min3A_1030 = arith.constant 1023 : i32
    %min3A_1031 = vector.broadcast %min3A_1030 : i32 to vector<16xi32>
    %min3A_1032 = arith.minsi %max3A_1029, %min3A_1031 : vector<16xi32>
    tpu.vector_store_idx %arg5[%min3A_1032], %broadcast_in_dim3A_10 masked %and3A_1026 : memref<1024xf32, #tpu.memory_space<vmem>>[vector<16xi32>], vector<16xf32>, vector<16xi1>
    %get3A_1033 = arith.constant 848 : index
    %get3A_1034 = tpu.vector_load %arg4[%get3A_1033] {strides = array<i32>} : memref<1024xi32, #tpu.memory_space<vmem>>, vector<16xi32>,
    %sub3A_1035 = vector.broadcast %sub3A : i32 to vector<16xi32>
    %sub3A_1036 = arith.subi %get3A_1034, %sub3A_1035 : vector<16xi32>
    %ge3A_1037 = arith.constant 0 : i32
    %ge3A_1038 = vector.broadcast %ge3A_1037 : i32 to vector<16xi32>
    %ge3A_1039 = arith.cmpi sge, %sub3A_1036, %ge3A_1038 : vector<16xi32>
    %lt3A_1040 = arith.constant 1024 : i32
    %lt3A_1041 = vector.broadcast %lt3A_1040 : i32 to vector<16xi32>
    %lt3A_1042 = arith.cmpi slt, %sub3A_1036, %lt3A_1041 : vector<16xi32>
    %and3A_1043 = arith.andi %ge3A_1039, %lt3A_1042 : vector<16xi1>
    %max3A_1044 = arith.constant 0 : i32
    %max3A_1045 = vector.broadcast %max3A_1044 : i32 to vector<16xi32>
    %max3A_1046 = arith.maxsi %sub3A_1036, %max3A_1045 : vector<16xi32>
    %min3A_1047 = arith.constant 1023 : i32
    %min3A_1048 = vector.broadcast %min3A_1047 : i32 to vector<16xi32>
    %min3A_1049 = arith.minsi %max3A_1046, %min3A_1048 : vector<16xi32>
    tpu.vector_store_idx %arg5[%min3A_1049], %broadcast_in_dim3A_10 masked %and3A_1043 : memref<1024xf32, #tpu.memory_space<vmem>>[vector<16xi32>], vector<16xf32>, vector<16xi1>
    %get3A_1050 = arith.constant 864 : index
    %get3A_1051 = tpu.vector_load %arg4[%get3A_1050] {strides = array<i32>} : memref<1024xi32, #tpu.memory_space<vmem>>, vector<16xi32>,
    %sub3A_1052 = vector.broadcast %sub3A : i32 to vector<16xi32>
    %sub3A_1053 = arith.subi %get3A_1051, %sub3A_1052 : vector<16xi32>
    %ge3A_1054 = arith.constant 0 : i32
    %ge3A_1055 = vector.broadcast %ge3A_1054 : i32 to vector<16xi32>
    %ge3A_1056 = arith.cmpi sge, %sub3A_1053, %ge3A_1055 : vector<16xi32>
    %lt3A_1057 = arith.constant 1024 : i32
    %lt3A_1058 = vector.broadcast %lt3A_1057 : i32 to vector<16xi32>
    %lt3A_1059 = arith.cmpi slt, %sub3A_1053, %lt3A_1058 : vector<16xi32>
    %and3A_1060 = arith.andi %ge3A_1056, %lt3A_1059 : vector<16xi1>
    %max3A_1061 = arith.constant 0 : i32
    %max3A_1062 = vector.broadcast %max3A_1061 : i32 to vector<16xi32>
    %max3A_1063 = arith.maxsi %sub3A_1053, %max3A_1062 : vector<16xi32>
    %min3A_1064 = arith.constant 1023 : i32
    %min3A_1065 = vector.broadcast %min3A_1064 : i32 to vector<16xi32>
    %min3A_1066 = arith.minsi %max3A_1063, %min3A_1065 : vector<16xi32>
    tpu.vector_store_idx %arg5[%min3A_1066], %broadcast_in_dim3A_10 masked %and3A_1060 : memref<1024xf32, #tpu.memory_space<vmem>>[vector<16xi32>], vector<16xf32>, vector<16xi1>
    %get3A_1067 = arith.constant 880 : index
    %get3A_1068 = tpu.vector_load %arg4[%get3A_1067] {strides = array<i32>} : memref<1024xi32, #tpu.memory_space<vmem>>, vector<16xi32>,
    %sub3A_1069 = vector.broadcast %sub3A : i32 to vector<16xi32>
    %sub3A_1070 = arith.subi %get3A_1068, %sub3A_1069 : vector<16xi32>
    %ge3A_1071 = arith.constant 0 : i32
    %ge3A_1072 = vector.broadcast %ge3A_1071 : i32 to vector<16xi32>
    %ge3A_1073 = arith.cmpi sge, %sub3A_1070, %ge3A_1072 : vector<16xi32>
    %lt3A_1074 = arith.constant 1024 : i32
    %lt3A_1075 = vector.broadcast %lt3A_1074 : i32 to vector<16xi32>
    %lt3A_1076 = arith.cmpi slt, %sub3A_1070, %lt3A_1075 : vector<16xi32>
    %and3A_1077 = arith.andi %ge3A_1073, %lt3A_1076 : vector<16xi1>
    %max3A_1078 = arith.constant 0 : i32
    %max3A_1079 = vector.broadcast %max3A_1078 : i32 to vector<16xi32>
    %max3A_1080 = arith.maxsi %sub3A_1070, %max3A_1079 : vector<16xi32>
    %min3A_1081 = arith.constant 1023 : i32
    %min3A_1082 = vector.broadcast %min3A_1081 : i32 to vector<16xi32>
    %min3A_1083 = arith.minsi %max3A_1080, %min3A_1082 : vector<16xi32>
    tpu.vector_store_idx %arg5[%min3A_1083], %broadcast_in_dim3A_10 masked %and3A_1077 : memref<1024xf32, #tpu.memory_space<vmem>>[vector<16xi32>], vector<16xf32>, vector<16xi1>
    %get3A_1084 = arith.constant 896 : index
    %get3A_1085 = tpu.vector_load %arg4[%get3A_1084] {strides = array<i32>} : memref<1024xi32, #tpu.memory_space<vmem>>, vector<16xi32>,
    %sub3A_1086 = vector.broadcast %sub3A : i32 to vector<16xi32>
    %sub3A_1087 = arith.subi %get3A_1085, %sub3A_1086 : vector<16xi32>
    %ge3A_1088 = arith.constant 0 : i32
    %ge3A_1089 = vector.broadcast %ge3A_1088 : i32 to vector<16xi32>
    %ge3A_1090 = arith.cmpi sge, %sub3A_1087, %ge3A_1089 : vector<16xi32>
    %lt3A_1091 = arith.constant 1024 : i32
    %lt3A_1092 = vector.broadcast %lt3A_1091 : i32 to vector<16xi32>
    %lt3A_1093 = arith.cmpi slt, %sub3A_1087, %lt3A_1092 : vector<16xi32>
    %and3A_1094 = arith.andi %ge3A_1090, %lt3A_1093 : vector<16xi1>
    %max3A_1095 = arith.constant 0 : i32
    %max3A_1096 = vector.broadcast %max3A_1095 : i32 to vector<16xi32>
    %max3A_1097 = arith.maxsi %sub3A_1087, %max3A_1096 : vector<16xi32>
    %min3A_1098 = arith.constant 1023 : i32
    %min3A_1099 = vector.broadcast %min3A_1098 : i32 to vector<16xi32>
    %min3A_1100 = arith.minsi %max3A_1097, %min3A_1099 : vector<16xi32>
    tpu.vector_store_idx %arg5[%min3A_1100], %broadcast_in_dim3A_10 masked %and3A_1094 : memref<1024xf32, #tpu.memory_space<vmem>>[vector<16xi32>], vector<16xf32>, vector<16xi1>
    %get3A_1101 = arith.constant 912 : index
    %get3A_1102 = tpu.vector_load %arg4[%get3A_1101] {strides = array<i32>} : memref<1024xi32, #tpu.memory_space<vmem>>, vector<16xi32>,
    %sub3A_1103 = vector.broadcast %sub3A : i32 to vector<16xi32>
    %sub3A_1104 = arith.subi %get3A_1102, %sub3A_1103 : vector<16xi32>
    %ge3A_1105 = arith.constant 0 : i32
    %ge3A_1106 = vector.broadcast %ge3A_1105 : i32 to vector<16xi32>
    %ge3A_1107 = arith.cmpi sge, %sub3A_1104, %ge3A_1106 : vector<16xi32>
    %lt3A_1108 = arith.constant 1024 : i32
    %lt3A_1109 = vector.broadcast %lt3A_1108 : i32 to vector<16xi32>
    %lt3A_1110 = arith.cmpi slt, %sub3A_1104, %lt3A_1109 : vector<16xi32>
    %and3A_1111 = arith.andi %ge3A_1107, %lt3A_1110 : vector<16xi1>
    %max3A_1112 = arith.constant 0 : i32
    %max3A_1113 = vector.broadcast %max3A_1112 : i32 to vector<16xi32>
    %max3A_1114 = arith.maxsi %sub3A_1104, %max3A_1113 : vector<16xi32>
    %min3A_1115 = arith.constant 1023 : i32
    %min3A_1116 = vector.broadcast %min3A_1115 : i32 to vector<16xi32>
    %min3A_1117 = arith.minsi %max3A_1114, %min3A_1116 : vector<16xi32>
    tpu.vector_store_idx %arg5[%min3A_1117], %broadcast_in_dim3A_10 masked %and3A_1111 : memref<1024xf32, #tpu.memory_space<vmem>>[vector<16xi32>], vector<16xf32>, vector<16xi1>
    %get3A_1118 = arith.constant 928 : index
    %get3A_1119 = tpu.vector_load %arg4[%get3A_1118] {strides = array<i32>} : memref<1024xi32, #tpu.memory_space<vmem>>, vector<16xi32>,
    %sub3A_1120 = vector.broadcast %sub3A : i32 to vector<16xi32>
    %sub3A_1121 = arith.subi %get3A_1119, %sub3A_1120 : vector<16xi32>
    %ge3A_1122 = arith.constant 0 : i32
    %ge3A_1123 = vector.broadcast %ge3A_1122 : i32 to vector<16xi32>
    %ge3A_1124 = arith.cmpi sge, %sub3A_1121, %ge3A_1123 : vector<16xi32>
    %lt3A_1125 = arith.constant 1024 : i32
    %lt3A_1126 = vector.broadcast %lt3A_1125 : i32 to vector<16xi32>
    %lt3A_1127 = arith.cmpi slt, %sub3A_1121, %lt3A_1126 : vector<16xi32>
    %and3A_1128 = arith.andi %ge3A_1124, %lt3A_1127 : vector<16xi1>
    %max3A_1129 = arith.constant 0 : i32
    %max3A_1130 = vector.broadcast %max3A_1129 : i32 to vector<16xi32>
    %max3A_1131 = arith.maxsi %sub3A_1121, %max3A_1130 : vector<16xi32>
    %min3A_1132 = arith.constant 1023 : i32
    %min3A_1133 = vector.broadcast %min3A_1132 : i32 to vector<16xi32>
    %min3A_1134 = arith.minsi %max3A_1131, %min3A_1133 : vector<16xi32>
    tpu.vector_store_idx %arg5[%min3A_1134], %broadcast_in_dim3A_10 masked %and3A_1128 : memref<1024xf32, #tpu.memory_space<vmem>>[vector<16xi32>], vector<16xf32>, vector<16xi1>
    %get3A_1135 = arith.constant 944 : index
    %get3A_1136 = tpu.vector_load %arg4[%get3A_1135] {strides = array<i32>} : memref<1024xi32, #tpu.memory_space<vmem>>, vector<16xi32>,
    %sub3A_1137 = vector.broadcast %sub3A : i32 to vector<16xi32>
    %sub3A_1138 = arith.subi %get3A_1136, %sub3A_1137 : vector<16xi32>
    %ge3A_1139 = arith.constant 0 : i32
    %ge3A_1140 = vector.broadcast %ge3A_1139 : i32 to vector<16xi32>
    %ge3A_1141 = arith.cmpi sge, %sub3A_1138, %ge3A_1140 : vector<16xi32>
    %lt3A_1142 = arith.constant 1024 : i32
    %lt3A_1143 = vector.broadcast %lt3A_1142 : i32 to vector<16xi32>
    %lt3A_1144 = arith.cmpi slt, %sub3A_1138, %lt3A_1143 : vector<16xi32>
    %and3A_1145 = arith.andi %ge3A_1141, %lt3A_1144 : vector<16xi1>
    %max3A_1146 = arith.constant 0 : i32
    %max3A_1147 = vector.broadcast %max3A_1146 : i32 to vector<16xi32>
    %max3A_1148 = arith.maxsi %sub3A_1138, %max3A_1147 : vector<16xi32>
    %min3A_1149 = arith.constant 1023 : i32
    %min3A_1150 = vector.broadcast %min3A_1149 : i32 to vector<16xi32>
    %min3A_1151 = arith.minsi %max3A_1148, %min3A_1150 : vector<16xi32>
    tpu.vector_store_idx %arg5[%min3A_1151], %broadcast_in_dim3A_10 masked %and3A_1145 : memref<1024xf32, #tpu.memory_space<vmem>>[vector<16xi32>], vector<16xf32>, vector<16xi1>
    %get3A_1152 = arith.constant 960 : index
    %get3A_1153 = tpu.vector_load %arg4[%get3A_1152] {strides = array<i32>} : memref<1024xi32, #tpu.memory_space<vmem>>, vector<16xi32>,
    %sub3A_1154 = vector.broadcast %sub3A : i32 to vector<16xi32>
    %sub3A_1155 = arith.subi %get3A_1153, %sub3A_1154 : vector<16xi32>
    %ge3A_1156 = arith.constant 0 : i32
    %ge3A_1157 = vector.broadcast %ge3A_1156 : i32 to vector<16xi32>
    %ge3A_1158 = arith.cmpi sge, %sub3A_1155, %ge3A_1157 : vector<16xi32>
    %lt3A_1159 = arith.constant 1024 : i32
    %lt3A_1160 = vector.broadcast %lt3A_1159 : i32 to vector<16xi32>
    %lt3A_1161 = arith.cmpi slt, %sub3A_1155, %lt3A_1160 : vector<16xi32>
    %and3A_1162 = arith.andi %ge3A_1158, %lt3A_1161 : vector<16xi1>
    %max3A_1163 = arith.constant 0 : i32
    %max3A_1164 = vector.broadcast %max3A_1163 : i32 to vector<16xi32>
    %max3A_1165 = arith.maxsi %sub3A_1155, %max3A_1164 : vector<16xi32>
    %min3A_1166 = arith.constant 1023 : i32
    %min3A_1167 = vector.broadcast %min3A_1166 : i32 to vector<16xi32>
    %min3A_1168 = arith.minsi %max3A_1165, %min3A_1167 : vector<16xi32>
    tpu.vector_store_idx %arg5[%min3A_1168], %broadcast_in_dim3A_10 masked %and3A_1162 : memref<1024xf32, #tpu.memory_space<vmem>>[vector<16xi32>], vector<16xf32>, vector<16xi1>
    %get3A_1169 = arith.constant 976 : index
    %get3A_1170 = tpu.vector_load %arg4[%get3A_1169] {strides = array<i32>} : memref<1024xi32, #tpu.memory_space<vmem>>, vector<16xi32>,
    %sub3A_1171 = vector.broadcast %sub3A : i32 to vector<16xi32>
    %sub3A_1172 = arith.subi %get3A_1170, %sub3A_1171 : vector<16xi32>
    %ge3A_1173 = arith.constant 0 : i32
    %ge3A_1174 = vector.broadcast %ge3A_1173 : i32 to vector<16xi32>
    %ge3A_1175 = arith.cmpi sge, %sub3A_1172, %ge3A_1174 : vector<16xi32>
    %lt3A_1176 = arith.constant 1024 : i32
    %lt3A_1177 = vector.broadcast %lt3A_1176 : i32 to vector<16xi32>
    %lt3A_1178 = arith.cmpi slt, %sub3A_1172, %lt3A_1177 : vector<16xi32>
    %and3A_1179 = arith.andi %ge3A_1175, %lt3A_1178 : vector<16xi1>
    %max3A_1180 = arith.constant 0 : i32
    %max3A_1181 = vector.broadcast %max3A_1180 : i32 to vector<16xi32>
    %max3A_1182 = arith.maxsi %sub3A_1172, %max3A_1181 : vector<16xi32>
    %min3A_1183 = arith.constant 1023 : i32
    %min3A_1184 = vector.broadcast %min3A_1183 : i32 to vector<16xi32>
    %min3A_1185 = arith.minsi %max3A_1182, %min3A_1184 : vector<16xi32>
    tpu.vector_store_idx %arg5[%min3A_1185], %broadcast_in_dim3A_10 masked %and3A_1179 : memref<1024xf32, #tpu.memory_space<vmem>>[vector<16xi32>], vector<16xf32>, vector<16xi1>
    %get3A_1186 = arith.constant 992 : index
    %get3A_1187 = tpu.vector_load %arg4[%get3A_1186] {strides = array<i32>} : memref<1024xi32, #tpu.memory_space<vmem>>, vector<16xi32>,
    %sub3A_1188 = vector.broadcast %sub3A : i32 to vector<16xi32>
    %sub3A_1189 = arith.subi %get3A_1187, %sub3A_1188 : vector<16xi32>
    %ge3A_1190 = arith.constant 0 : i32
    %ge3A_1191 = vector.broadcast %ge3A_1190 : i32 to vector<16xi32>
    %ge3A_1192 = arith.cmpi sge, %sub3A_1189, %ge3A_1191 : vector<16xi32>
    %lt3A_1193 = arith.constant 1024 : i32
    %lt3A_1194 = vector.broadcast %lt3A_1193 : i32 to vector<16xi32>
    %lt3A_1195 = arith.cmpi slt, %sub3A_1189, %lt3A_1194 : vector<16xi32>
    %and3A_1196 = arith.andi %ge3A_1192, %lt3A_1195 : vector<16xi1>
    %max3A_1197 = arith.constant 0 : i32
    %max3A_1198 = vector.broadcast %max3A_1197 : i32 to vector<16xi32>
    %max3A_1199 = arith.maxsi %sub3A_1189, %max3A_1198 : vector<16xi32>
    %min3A_1200 = arith.constant 1023 : i32
    %min3A_1201 = vector.broadcast %min3A_1200 : i32 to vector<16xi32>
    %min3A_1202 = arith.minsi %max3A_1199, %min3A_1201 : vector<16xi32>
    tpu.vector_store_idx %arg5[%min3A_1202], %broadcast_in_dim3A_10 masked %and3A_1196 : memref<1024xf32, #tpu.memory_space<vmem>>[vector<16xi32>], vector<16xf32>, vector<16xi1>
    %get3A_1203 = arith.constant 1008 : index
    %get3A_1204 = tpu.vector_load %arg4[%get3A_1203] {strides = array<i32>} : memref<1024xi32, #tpu.memory_space<vmem>>, vector<16xi32>,
    %sub3A_1205 = vector.broadcast %sub3A : i32 to vector<16xi32>
    %sub3A_1206 = arith.subi %get3A_1204, %sub3A_1205 : vector<16xi32>
    %ge3A_1207 = arith.constant 0 : i32
    %ge3A_1208 = vector.broadcast %ge3A_1207 : i32 to vector<16xi32>
    %ge3A_1209 = arith.cmpi sge, %sub3A_1206, %ge3A_1208 : vector<16xi32>
    %lt3A_1210 = arith.constant 1024 : i32
    %lt3A_1211 = vector.broadcast %lt3A_1210 : i32 to vector<16xi32>
    %lt3A_1212 = arith.cmpi slt, %sub3A_1206, %lt3A_1211 : vector<16xi32>
    %and3A_1213 = arith.andi %ge3A_1209, %lt3A_1212 : vector<16xi1>
    %max3A_1214 = arith.constant 0 : i32
    %max3A_1215 = vector.broadcast %max3A_1214 : i32 to vector<16xi32>
    %max3A_1216 = arith.maxsi %sub3A_1206, %max3A_1215 : vector<16xi32>
    %min3A_1217 = arith.constant 1023 : i32
    %min3A_1218 = vector.broadcast %min3A_1217 : i32 to vector<16xi32>
    %min3A_1219 = arith.minsi %max3A_1216, %min3A_1218 : vector<16xi32>
    tpu.vector_store_idx %arg5[%min3A_1219], %broadcast_in_dim3A_10 masked %and3A_1213 : memref<1024xf32, #tpu.memory_space<vmem>>[vector<16xi32>], vector<16xf32>, vector<16xi1>
    "tpu.region"() ({
      %run_scoped3A = tpu.sem_alloc : memref<!tpu.dma_semaphore, #tpu.memory_space<semaphore_mem>>
      %dma_start3A = tpu.memref_slice %arg3[%mul3A_2] : memref<32768xf32, #tpu.memory_space<hbm>> -> memref<1024xf32, #tpu.memory_space<hbm>>
      %dma_start3A_1220 = tpu.memref_slice %arg3[%mul3A_2] : memref<32768xf32, #tpu.memory_space<hbm>> -> memref<1024xf32, #tpu.memory_space<hbm>>
      tpu.enqueue_dma source(%arg5 : memref<1024xf32, #tpu.memory_space<vmem>>) target(%dma_start3A_1220 : memref<1024xf32, #tpu.memory_space<hbm>>) target_semaphore(%run_scoped3A : memref<!tpu.dma_semaphore, #tpu.memory_space<semaphore_mem>>)
      %dma_wait3A = tpu.memref_slice %arg3[%mul3A_2] : memref<32768xf32, #tpu.memory_space<hbm>> -> memref<1024xf32, #tpu.memory_space<hbm>>
      %dma_wait3A_1221 = tpu.memref_slice %arg3[%mul3A_2] : memref<32768xf32, #tpu.memory_space<hbm>> -> memref<1024xf32, #tpu.memory_space<hbm>>
      tpu.wait_dma2 semaphore(%run_scoped3A : memref<!tpu.dma_semaphore, #tpu.memory_space<semaphore_mem>>) src(%arg5 : memref<1024xf32, #tpu.memory_space<vmem>>) dst(%dma_wait3A_1221 : memref<1024xf32, #tpu.memory_space<hbm>>)
      tpu.yield
    }) : () -> ()
    return
  }
}

module attributes {stable_mosaic.version = 14 : i64} {
  func.func @_mul_kernel(%arg0: i32, %arg1: i32, %arg2: memref<1x1x8192xf32, #tpu.memory_space<vmem>>, %arg3: memref<1x2048x1024xf32, #tpu.memory_space<vmem>>, %arg4: memref<1x2048x1024xf32, #tpu.memory_space<vmem>>) attributes {dimension_semantics = [#tpu.dimension_semantics<arbitrary>, #tpu.dimension_semantics<arbitrary>], iteration_bounds = array<i64: 4, 4>, scalar_prefetch = 0 : i64, scratch_operands = 0 : i64, tpu.core_type = #tpu.core_type<tc>, window_params = [{transform_indices = @transform_0, window_bounds = array<i64: 1, 1, 8192>}, {transform_indices = @transform_1, window_bounds = array<i64: 1, 2048, 1024>}, {transform_indices = @transform_2, window_bounds = array<i64: 1, 2048, 1024>}]} {
    %mul3A = arith.constant 2048 : i32
    %mul3A_0 = arith.muli %arg1, %mul3A : i32
    %get3A = arith.constant 0 : index
    %get3A_1 = arith.constant 0 : index
    %get3A_2 = arith.index_cast %mul3A_0 : i32 to index
    %get3A_3 = vector.load %arg2[%get3A, %get3A_1, %get3A_2] : memref<1x1x8192xf32, #tpu.memory_space<vmem>>, vector<1x1x2048xf32>
    %get3A_4 = vector.shape_cast %get3A_3 : vector<1x1x2048xf32> to vector<2048xf32>
    %get3A_5 = arith.constant 0 : index
    %get3A_6 = arith.constant 0 : index
    %get3A_7 = arith.constant 0 : index
    %get3A_8 = vector.load %arg3[%get3A_5, %get3A_6, %get3A_7] : memref<1x2048x1024xf32, #tpu.memory_space<vmem>>, vector<1x2048x1024xf32>
    %get3A_9 = vector.shape_cast %get3A_8 : vector<1x2048x1024xf32> to vector<2048x1024xf32>
    %broadcast_in_dim3A = vector.shape_cast %get3A_4 : vector<2048xf32> to vector<2048x1xf32>
    %mul3A_10 = vector.broadcast %broadcast_in_dim3A : vector<2048x1xf32> to vector<2048x1024xf32>
    %mul3A_11 = arith.mulf %get3A_9, %mul3A_10 : vector<2048x1024xf32>
    %swap3A = arith.constant 0 : index
    %swap3A_12 = arith.constant 0 : index
    %swap3A_13 = arith.constant 0 : index
    %swap3A_14 = vector.load %arg4[%swap3A, %swap3A_12, %swap3A_13] : memref<1x2048x1024xf32, #tpu.memory_space<vmem>>, vector<1x2048x1024xf32>
    %swap3A_15 = vector.shape_cast %swap3A_14 : vector<1x2048x1024xf32> to vector<2048x1024xf32>
    %swap3A_16 = vector.shape_cast %mul3A_11 : vector<2048x1024xf32> to vector<1x2048x1024xf32>
    tpu.vector_store %arg4[%swap3A, %swap3A_12, %swap3A_13], %swap3A_16 {strides = array<i32>} : memref<1x2048x1024xf32, #tpu.memory_space<vmem>>, vector<1x2048x1024xf32>,
    return
  }
  func.func @transform_0(%arg0: i32, %arg1: i32) -> (i32, i32, i32) {
    %c0_i32 = arith.constant 0 : i32
    %c0_i32_0 = arith.constant 0 : i32
    %c0_i32_1 = arith.constant 0 : i32
    return %arg0, %c0_i32, %c0_i32_0 : i32, i32, i32
  }
  func.func @transform_1(%arg0: i32, %arg1: i32) -> (i32, i32, i32) {
    %c0_i32 = arith.constant 0 : i32
    %c0_i32_0 = arith.constant 0 : i32
    return %arg0, %arg1, %c0_i32 : i32, i32, i32
  }
  func.func @transform_2(%arg0: i32, %arg1: i32) -> (i32, i32, i32) {
    %c0_i32 = arith.constant 0 : i32
    %c0_i32_0 = arith.constant 0 : i32
    return %arg0, %arg1, %c0_i32 : i32, i32, i32
  }
}

</mosaic_0001>

<sc_bundles>
// kernel: kernel.4.cloned.1.call-start
scs
__scs_entry_jumppad:
0x0: {  	(pc) =	sbr.rel $0x88, $3  }
0x1: {  	(tag) =	ssettag $0x0;
	lr =	simm.s32 $0x1  }
0x2: {  	[smem:$0x3F9F] =	sst lr;
	_ =	strace $0xD0000000  }
0x3: {  	_ = 	snop  }
0x4: {  	_ = 	snop  }
0x5: {  	_ = 	snop  }
0x6: {  	_ = 	snop  }
0x7: {  	_ = 	snop  }
__scs_overlays_trampoline_lowered:
0x8: {  	[smem:$0x3FAE] =	sst s0  }
0x9: {  	[smem:$0x3FAF] =	sst s1  }
0xa: {  	[smem:$0x3FB0] =	sst s2  }
0xb: {  	[smem:$0x3FB1] =	sst s3  }
0xc: {  	[smem:$0x3FB2] =	sst s4  }
0xd: {  	[smem:$0x3FB3] =	sst s5  }
0xe: {  	[smem:$0x3FB4] =	sst s6  }
0xf: {  	[smem:$0x3FB5] =	sst s7  }
0x10: {  	[smem:$0x3FB6] =	sst s8  }
0x11: {  	[smem:$0x3FB7] =	sst s9;
	s0 =	simm.s32 @!p0 $0x0  }
0x12: {  	s1 =	sld [smem:$0x3F9D];
	s0 =	simm.s32 @p0 $0x1  }
0x13: {  	[smem:$0x3FB8] =	sst s0;
	s0 =	simm.s32 @!p1 $0x0  }
0x14: {  	s2 =	sld [smem:$0x3F9C];
	s0 =	simm.s32 @p1 $0x1  }
0x15: {  	[smem:$0x3FB9] =	sst s0;
	s0 =	simm.s32 @!p2 $0x0  }
0x16: {  	s3 =	sld [smem:$0x3FDB];
	s0 =	simm.s32 @p2 $0x1  }
0x17: {  	s4 =	simm.s32 $0x1BF5;
	[smem:$0x3FBB] =	sst s0  }
0x18: {  	s0 =	sld [smem:$0x3F9E];
	_ =	swait.ge [sflag:s4], $0x0  }
0x19: {  	s7 =	sld [smem:$0x3F9F]  }
0x1a: {  	s8 =	sadd.s32 $0xFFFFE003, lr  }
0x1b: {  	s9 =	sadd.s32 $0xFFFFFEF7, lr;
	s5 =	simm.s32 $0xFFFFFFFF;
	p2 =	slt.u32 s8, $0xFFFFF086  }
0x1c: {  	p1 =	slt.u32 s9, $0xF7A;
	s5 =	simm.s32 @!p2 $0x0  }
0x1d: {  	s5 =	simm.s32 @p1 $0x1;
	p0 =	seq.s32 s7, s2  }
0x1e: {  	s7 =	smul.u32 @!p0 $0xF7A, s2;
	p2 =	seq.s32 @!p0 s5, $0x0  }
0x1f: {  	s9 =	smul.u32 $0xF7A, s1;
	s8 =	simm.s32 @!p0 $0x1BF5;
	p2 =	por !p2, p0  }
0x20: {  	[sflag:s8] =	ssyncset.s32 @!p0 $0xFFFFF086;
	s6 =	sadd.s32 @!p0 s3, s7;
	s7 =	simm.s32 @!p0 $0x108  }
0x21: {  	s3 =	sadd.s32 s3, s9;
	s6 =	sadd.s32 @!p0 $0x88, s6;
	s7 =	simm.s32 @p2 $0x1082  }
0x22: {  	[simem:s7], [sflag:s8] =	dma.local @!p0 [hbm:s6], $0xF7A  }
0x23: {  	s9 =	sor.u32 $0xD0000000, s2;
	s6 =	simm.s32 $0x108;
	_ =	swait.ge @!p0 [sflag:s8], $0x0  }
0x24: {  	s3 =	sadd.s32 $0x88, s3;
	s6 =	simm.s32 @!p1 $0x1082;
	[sflag:s4] =	ssyncset.s32 $0xFFFFF086  }
0x25: {  	[simem:s6], [sflag:s4] =	dma.local [hbm:s3], $0xF7A  }
0x26: {  	[smem:$0x3F9F] =	sst s1;
	(tag) =	ssettag s2;
	_ =	strace s9  }
0x27: {  	s1 =	sld [smem:$0x3FAF]  }
0x28: {  	s2 =	sld [smem:$0x3FB0]  }
0x29: {  	s4 =	sld [smem:$0x3FB2]  }
0x2a: {  	p0 =	seq.s32 s5, $0x0;
	s5 =	sld [smem:$0x3FB3]  }
0x2b: {  	s6 =	sld [smem:$0x3FB4]  }
0x2c: {  	s7 =	sld [smem:$0x3FB5]  }
0x2d: {  	s3 =	simm.s32 $0x108;
	s8 =	sld [smem:$0x3FB6]  }
0x2e: {  	s3 =	simm.s32 @!p0 $0x1082;
	s9 =	sld [smem:$0x3FB7]  }
0x2f: {  	lr =	sadd.s32 s0, s3;
	s0 =	sld [smem:$0x3FAE]  }
0x30: {  	s3 =	sld [smem:$0x3FB1]  }
0x31: {  	[smem:$0x3FBA] =	sst s10  }
0x32: {  	s10 =	sld [smem:$0x3FB8];
	_ =	sdelay $0x3  }
0x33: {  	p0 =	seq.s32 s10, $0x1;
	s10 =	sld [smem:$0x3FBA];
	_ =	sdelay $0x3  }
0x34: {  	[smem:$0x3FBA] =	sst s10  }
0x35: {  	s10 =	sld [smem:$0x3FB9];
	_ =	sdelay $0x3  }
0x36: {  	p1 =	seq.s32 s10, $0x1;
	s10 =	sld [smem:$0x3FBA];
	_ =	sdelay $0x3  }
0x37: {  	[smem:$0x3FBA] =	sst s10  }
0x38: {  	s10 =	sld [smem:$0x3FBB]  }
0x39: {  	_ = 	snop;
	(pc) =	sbr.ind lr, $3  }
0x3a: {  	_ = 	snop  }
0x3b: {  	_ = 	snop  }
0x3c: {  	p2 =	seq.s32 s10, $0x1;
	s10 =	sld [smem:$0x3FBA]  }
0x3d: {  	_ =	shalt  }
0x3e: {  	_ =	shalt  }
0x3f: {  	_ =	shalt  }
0x40: {  	_ =	shalt  }
0x41: {  	_ =	shalt  }
0x42: {  	_ =	shalt  }
0x43: {  	_ =	shalt  }
0x44: {  	_ =	shalt  }
0x45: {  	_ =	shalt  }
0x46: {  	_ =	shalt  }
0x47: {  	_ =	shalt  }
0x48: {  	_ =	shalt  }
0x49: {  	_ =	shalt  }
0x4a: {  	_ =	shalt  }
0x4b: {  	_ =	shalt  }
0x4c: {  	_ =	shalt  }
0x4d: {  	_ =	shalt  }
0x4e: {  	_ =	shalt  }
0x4f: {  	_ =	shalt  }
0x50: {  	_ =	shalt  }
0x51: {  	_ =	shalt  }
0x52: {  	_ =	shalt  }
0x53: {  	_ =	shalt  }
0x54: {  	_ =	shalt  }
0x55: {  	_ =	shalt  }
0x56: {  	_ =	shalt  }
0x57: {  	_ =	shalt  }
0x58: {  	_ =	shalt  }
0x59: {  	_ =	shalt  }
0x5a: {  	_ =	shalt  }
0x5b: {  	_ =	shalt  }
0x5c: {  	_ =	shalt  }
0x5d: {  	_ =	shalt  }
0x5e: {  	_ =	shalt  }
0x5f: {  	_ =	shalt  }
0x60: {  	_ =	shalt  }
0x61: {  	_ =	shalt  }
0x62: {  	_ =	shalt  }
0x63: {  	_ =	shalt  }
0x64: {  	_ =	shalt  }
0x65: {  	_ =	shalt  }
0x66: {  	_ =	shalt  }
0x67: {  	_ =	shalt  }
0x68: {  	_ =	shalt  }
0x69: {  	_ =	shalt  }
0x6a: {  	_ =	shalt  }
0x6b: {  	_ =	shalt  }
0x6c: {  	_ =	shalt  }
0x6d: {  	_ =	shalt  }
0x6e: {  	_ =	shalt  }
0x6f: {  	_ =	shalt  }
0x70: {  	_ =	shalt  }
0x71: {  	_ =	shalt  }
0x72: {  	_ =	shalt  }
0x73: {  	_ =	shalt  }
0x74: {  	_ =	shalt  }
0x75: {  	_ =	shalt  }
0x76: {  	_ =	shalt  }
0x77: {  	_ =	shalt  }
0x78: {  	_ =	shalt  }
0x79: {  	_ =	shalt  }
0x7a: {  	_ =	shalt  }
0x7b: {  	_ =	shalt  }
0x7c: {  	_ =	shalt  }
0x7d: {  	_ =	shalt  }
0x7e: {  	_ =	shalt  }
0x7f: {  	_ =	shalt  }
0x80: {  	_ =	shalt  }
0x81: {  	_ =	shalt  }
0x82: {  	_ =	shalt  }
0x83: {  	_ =	shalt  }
0x84: {  	_ =	shalt  }
0x85: {  	_ =	shalt  }
0x86: {  	_ =	shalt  }
0x87: {  	_ =	shalt  }
.Lfunc_end0:
.L_simem_size_0:
called_computation_lowered:
.L_overlay_start_0:
0x88: {  	s2 =	sld [smem:$0x3FD9]  }
0x89: {  	s3 =	sld [smem:$0x3FFE];
	_ =	sdelay $0x1  }
0x8a: {  	s1 =	srdreg.scid  }
0x8b: {  	s0 =	sand.u32 $0x1, s1  }
0x8c: {  	s17 =	sshll.u32 s0, $0xA;
	s2 =	sadd.s32 s3, s2  }
0x8d: {  	s2 =	sadd.s32 s2, s17  }
0x8e: {  	[smem:$0x3FC6] =	sst s2  }
0x8f: {  	_ = 	snop  }
0x90: {  	s2 =	sld [smem:$0x3FD0];
	(tm) =	ssettm $0x1  }
0x91: {  	s18 =	sld [smem:$0x3FFB];
	_ =	sdelay $0x3  }
0x92: {  	_ =	strace s18  }
0x93: {  	s3 =	sld [smem:$0x3FFC];
	_ =	sdelay $0x3  }
0x94: {  	_ =	strace s3  }
0x95: {  	s3 =	sld [smem:$0x3FFD];
	_ =	sdelay $0x3  }
0x96: {  	_ =	strace s3  }
0x97: {  	_ =	strace $0x8FFFFFFF  }
0x98: {  	s19 =	sld [smem:$0x3FDB];
	_ =	sdelay $0x1  }
0x99: {  	s4 =	simm.s32 $_scs_section_size  }
0x9a: {  	s5 =	simm.s32 $_size__tile_overlayer_lowered;
	s6 =	simm.s32 $_tile_overlayer_lowered  }
0x9b: {  	s22 =	simm.s32 $0x1BFF;
	s21 =	sshll.u32 s6, $0x1;
	s3 =	sadd.s32 s4, s19  }
0x9c: {  	s7 =	simm.s32 $0x0;
	s20 =	sshll.u32 s5, $0x1;
	s5 =	sadd.s32 s21, s3  }
0x9d: {  	[timem:s7], [sflag:s22] =	dma.local [hbm:s5], s20  }
0x9e: {  	_ =	swait.ge [sflag:s22], s20  }
0x9f: {  	s4 =	ssub.s32 $0x0, s20;
	[sflag:s22] =	ssyncset.done $0x0  }
0xa0: {  	[sflag:s22] =	ssyncadd.s32 s4;
	_ =	sdelay $0x1  }
0xa1: {  	s23 =	simm.s32 $0x1B8B  }
0xa2: {  	_ =	swait.ge [sflag:s23], $0x1  }
0xa3: {  	[sflag:s23] =	ssyncset.done $0x0  }
0xa4: {  	s25 =	simm.s32 $0x1B8E;
	s24 =	sld [smem:$0x3FFE];
	[sflag:s23] =	ssyncadd.s32 $0xFFFFFFFF  }
0xa5: {  	s26 =	simm.s32 $execute0_lowered;
	[smem:$0x3FD2] =	sst s25  }
0xa6: {  	s5 =	sshll.u32 s26, $0x1;
	_ =	strace $0x80000046;
	[dreg:$0x1] =	wrdreg $0xFFFFFFFF  }
0xa7: {  	s28 =	simm.s32 $_size_execute0_lowered;
	s3 =	sadd.s32 s3, s5;
	[dreg:$0x0] =	wrdreg $0x0  }
0xa8: {  	s5 =	sshll.u32 s28, $0x1;
	[dreg:$0x2] =	wrdreg s3  }
0xa9: {  	[dreg:$0x3] =	wrdreg s5  }
0xaa: {  	[dreg:$0x4] =	wrdreg $0xC0  }
0xab: {  	_ =	task [dreg:s7], $0x5FFFF  }
0xac: {  	[dreg:$0x1] =	wrdreg $0xFFFFFFFF  }
0xad: {  	[dreg:$0x0] =	wrdreg $0x60  }
0xae: {  	[dreg:$0x2] =	wrdreg s24  }
0xaf: {  	[dreg:$0x3] =	wrdreg s2  }
0xb0: {  	[dreg:$0x4] =	wrdreg $0x9  }
0xb1: {  	_ =	task.clear_ibuf [dreg:s7], $0x5FFFF;
	_ =	strace $0x90000046  }
0xb2: {  	s29 =	simm.s32 $0x9;
	_ =	strace $0x80000048  }
0xb3: {  	_ =	swait.ge [sflag:s29], $0x1  }
0xb4: {  	[sflag:s29] =	ssyncadd.s32 $0xFFFFFFFF  }
0xb5: {  	_ =	strace $0x90000048  }
0xb6: {  	_ =	sfence  }
0xb7: {  	s30 =	sld [smem:$0x0];
	_ =	sdelay $0x2  }
0xb8: {  	s31 =	sshll.u32 s1, $0xD;
	s1 =	sshrl.u32 s1, $0x2  }
0xb9: {  	s3 =	sand.u32 $0x4000, s31;
	s1 =	sadd.s32 s1, s30  }
0xba: {  	s0 =	sor.u32 s3, s0;
	s1 =	sshll.u32 s1, $0x11  }
0xbb: {  	s0 =	sor.u32 s1, s0  }
0xbc: {  	s0 =	sadd.s32 $0x8F2B, s0  }
0xbd: {  	[sflag:s0] =	ssyncadd.remote.s32 $0x1  }
0xbe: {  	_ =	sfence.sel $0xFFFF  }
0xbf: {  	[dreg:$0x0] =	wrdreg $0xFFFFFFFF;
	(pc) =	sbr.abs _section_cstart, $3  }
0xc0: {  	[dreg:$0x1] =	wrdreg $0xFFFFFFFF  }
0xc1: {  	_ =	task.clear_ibuf [dreg:s7], $0x2FFFF;
	_ =	strace $0x9FFFFFFF  }
0xc2: {  	(tm) =	ssettm $0x7FFFFFFF  }
0xc3: {  	_ =	shalt  }
tec
execute0_lowered:
.L_overlay_start_1:
0x0: {  	(tag) =	ssettag $0x1  }
0x1: {  	s3 =	rddreg [dreg:$0x0]  }
0x2: {  	s4 =	rddreg [dreg:$0x1]  }
0x3: {  	s0 =	rddreg [dreg:$0x2]  }
0x4: {  	s1 =	stileid.u32;
	s5 =	srdreg.scid  }
0x5: {  	s2 =	simm.s32 $0x0;
	s6 =	sshrl.u32 s1, $0x2;
	s5 =	sand.u32 $0x1, s5  }
0x6: {  	[smem:$0x7FF] =	sst s2;
	s9 =	sshll.u32 s1, $0x1;
	s7 =	sshll.u32 s6, $0x7  }
0x7: {  	s8 =	ssub.s32 $0x2, s5;
	_ =	strace $0x80000047;
	s5 =	sor.u32 s5, s9  }
0x8: {  	s6 =	sshll.u32 s6, $0xD;
	s3 =	sadd.s32 s7, s3;
	s30 =	sshrl.u32 s8, $0x1  }
0x9: {  	s31 =	sshll.u32 s5, $0xA;
	s5 =	sshll.u32 s5, $0x7;
	s7 =	ssub.s32 s8, s30  }
0xa: {  	s6 =	ssub.s32 s31, s6;
	s3 =	sadd.s32 $0x600, s3;
	s4 =	sadd.s32 s4, s5  }
0xb: {  	v1 =	vimm.f32 $1.000000000e+00;
	v2 =	vimm.f32 $0.0e+00;
	v0 =	vmov s6;
	s5 =	smax.u32 s7, $0x1;
	s6 =	simm.s32 $0x1;
	s7 =	simm.s32 $0x400  }
.LBB2_1:
0xc: {  	[tilespmem:s2], [sflag:$0x1] =	stream.linear.gather [hbm4b:s3+s2], $0x400, $0x38;
	[tilespmem:$0x800] =	vst v63  }
0xd: {  	_ =	swait.ge [sflag:s6], $0x400  }
0xe: {  	[sflag:s6] =	ssyncset.done $0x0  }
0xf: {  	[sflag:s6] =	ssyncadd.s32 $0xFFFFFC00  }
0x10: {  	[tilespmem:$0x400] =	vst v1  }
0x11: {  	[tilespmem:$0x410] =	vst v1  }
0x12: {  	[tilespmem:$0x420] =	vst v1  }
0x13: {  	[tilespmem:$0x430] =	vst v1  }
0x14: {  	[tilespmem:$0x440] =	vst v1  }
0x15: {  	[tilespmem:$0x450] =	vst v1  }
0x16: {  	[tilespmem:$0x460] =	vst v1  }
0x17: {  	[tilespmem:$0x470] =	vst v1  }
0x18: {  	[tilespmem:$0x480] =	vst v1  }
0x19: {  	[tilespmem:$0x490] =	vst v1  }
0x1a: {  	[tilespmem:$0x4A0] =	vst v1  }
0x1b: {  	[tilespmem:$0x4B0] =	vst v1  }
0x1c: {  	[tilespmem:$0x4C0] =	vst v1  }
0x1d: {  	[tilespmem:$0x4D0] =	vst v1  }
0x1e: {  	[tilespmem:$0x4E0] =	vst v1  }
0x1f: {  	[tilespmem:$0x4F0] =	vst v1  }
0x20: {  	[tilespmem:$0x500] =	vst v1  }
0x21: {  	[tilespmem:$0x510] =	vst v1  }
0x22: {  	[tilespmem:$0x520] =	vst v1  }
0x23: {  	[tilespmem:$0x530] =	vst v1  }
0x24: {  	[tilespmem:$0x540] =	vst v1  }
0x25: {  	[tilespmem:$0x550] =	vst v1  }
0x26: {  	[tilespmem:$0x560] =	vst v1  }
0x27: {  	[tilespmem:$0x570] =	vst v1  }
0x28: {  	[tilespmem:$0x580] =	vst v1  }
0x29: {  	[tilespmem:$0x590] =	vst v1  }
0x2a: {  	[tilespmem:$0x5A0] =	vst v1  }
0x2b: {  	[tilespmem:$0x5B0] =	vst v1  }
0x2c: {  	[tilespmem:$0x5C0] =	vst v1  }
0x2d: {  	[tilespmem:$0x5D0] =	vst v1  }
0x2e: {  	[tilespmem:$0x5E0] =	vst v1  }
0x2f: {  	[tilespmem:$0x5F0] =	vst v1  }
0x30: {  	[tilespmem:$0x600] =	vst v1  }
0x31: {  	[tilespmem:$0x610] =	vst v1  }
0x32: {  	[tilespmem:$0x620] =	vst v1  }
0x33: {  	[tilespmem:$0x630] =	vst v1  }
0x34: {  	[tilespmem:$0x640] =	vst v1  }
0x35: {  	[tilespmem:$0x650] =	vst v1  }
0x36: {  	[tilespmem:$0x660] =	vst v1  }
0x37: {  	[tilespmem:$0x670] =	vst v1  }
0x38: {  	[tilespmem:$0x680] =	vst v1  }
0x39: {  	[tilespmem:$0x690] =	vst v1  }
0x3a: {  	[tilespmem:$0x6A0] =	vst v1  }
0x3b: {  	[tilespmem:$0x6B0] =	vst v1  }
0x3c: {  	[tilespmem:$0x6C0] =	vst v1  }
0x3d: {  	[tilespmem:$0x6D0] =	vst v1  }
0x3e: {  	[tilespmem:$0x6E0] =	vst v1  }
0x3f: {  	[tilespmem:$0x6F0] =	vst v1  }
0x40: {  	[tilespmem:$0x700] =	vst v1  }
0x41: {  	[tilespmem:$0x710] =	vst v1  }
0x42: {  	[tilespmem:$0x720] =	vst v1  }
0x43: {  	[tilespmem:$0x730] =	vst v1;
	v3 =	vld [tilespmem:$0x0]  }
0x44: {  	[tilespmem:$0x740] =	vst v1  }
0x45: {  	[tilespmem:$0x750] =	vst v1  }
0x46: {  	[tilespmem:$0x760] =	vst v1  }
0x47: {  	[tilespmem:$0x770] =	vst v1  }
0x48: {  	[tilespmem:$0x780] =	vst v1;
	v3 =	vsub.s32 v3, v0  }
0x49: {  	[tilespmem:$0x790] =	vst v1;
	vm0 =	vgt.s32 v3, $0x0  }
0x4a: {  	[tilespmem:$0x7A0] =	vst v1;
	vm1 =	vlt.u32 v3, $0x400;
	v3 =	vnsel vm0, $0x0, v3  }
0x4b: {  	[tilespmem:$0x7B0] =	vst v1;
	v3 =	vmin.u32 v3, $0x3FF  }
0x4c: {  	[tilespmem:$0x7C0] =	vst v1  }
0x4d: {  	[tilespmem:$0x7D0] =	vst v1  }
0x4e: {  	[tilespmem:$0x7E0] =	vst v1  }
0x4f: {  	[tilespmem:$0x7F0] =	vst v1  }
0x50: {  	[tilespmem:v3+s7+$0x0] =	vst.idx.msk vm1, v2  }
0x51: {  	v3 =	vld [tilespmem:$0x10];
	_ =	sdelay $0x4  }
0x52: {  	v3 =	vsub.s32 v3, v0  }
0x53: {  	vm10 =	vgt.s32 v3, $0x0  }
0x54: {  	vm11 =	vlt.u32 v3, $0x400;
	v3 =	vnsel vm10, $0x0, v3  }
0x55: {  	v3 =	vmin.u32 v3, $0x3FF;
	_ =	sdelay $0x4  }
0x56: {  	[tilespmem:v3+s7+$0x0] =	vst.idx.msk vm11, v2  }
0x57: {  	v3 =	vld [tilespmem:$0x20];
	_ =	sdelay $0x4  }
0x58: {  	v3 =	vsub.s32 v3, v0  }
0x59: {  	vm12 =	vgt.s32 v3, $0x0  }
0x5a: {  	vm13 =	vlt.u32 v3, $0x400;
	v3 =	vnsel vm12, $0x0, v3  }
0x5b: {  	v3 =	vmin.u32 v3, $0x3FF;
	_ =	sdelay $0x4  }
0x5c: {  	[tilespmem:v3+s7+$0x0] =	vst.idx.msk vm13, v2  }
0x5d: {  	v3 =	vld [tilespmem:$0x30];
	_ =	sdelay $0x4  }
0x5e: {  	v3 =	vsub.s32 v3, v0  }
0x5f: {  	vm14 =	vgt.s32 v3, $0x0  }
0x60: {  	vm15 =	vlt.u32 v3, $0x400;
	v3 =	vnsel vm14, $0x0, v3  }
0x61: {  	v3 =	vmin.u32 v3, $0x3FF;
	_ =	sdelay $0x4  }
0x62: {  	[tilespmem:v3+s7+$0x0] =	vst.idx.msk vm15, v2  }
0x63: {  	v3 =	vld [tilespmem:$0x40];
	_ =	sdelay $0x4  }
0x64: {  	v3 =	vsub.s32 v3, v0  }
0x65: {  	vm4 =	vgt.s32 v3, $0x0  }
0x66: {  	vm5 =	vlt.u32 v3, $0x400;
	v3 =	vnsel vm4, $0x0, v3  }
0x67: {  	v3 =	vmin.u32 v3, $0x3FF;
	_ =	sdelay $0x4  }
0x68: {  	[tilespmem:v3+s7+$0x0] =	vst.idx.msk vm5, v2  }
0x69: {  	v3 =	vld [tilespmem:$0x50];
	_ =	sdelay $0x4  }
0x6a: {  	v3 =	vsub.s32 v3, v0  }
0x6b: {  	vm6 =	vgt.s32 v3, $0x0  }
0x6c: {  	vm7 =	vlt.u32 v3, $0x400;
	v3 =	vnsel vm6, $0x0, v3  }
0x6d: {  	v3 =	vmin.u32 v3, $0x3FF;
	_ =	sdelay $0x4  }
0x6e: {  	[tilespmem:v3+s7+$0x0] =	vst.idx.msk vm7, v2  }
0x6f: {  	v3 =	vld [tilespmem:$0x60];
	_ =	sdelay $0x4  }
0x70: {  	v3 =	vsub.s32 v3, v0  }
0x71: {  	vm8 =	vgt.s32 v3, $0x0  }
0x72: {  	vm9 =	vlt.u32 v3, $0x400;
	v3 =	vnsel vm8, $0x0, v3  }
0x73: {  	v3 =	vmin.u32 v3, $0x3FF;
	_ =	sdelay $0x4  }
0x74: {  	[tilespmem:v3+s7+$0x0] =	vst.idx.msk vm9, v2  }
0x75: {  	v3 =	vld [tilespmem:$0x70];
	_ =	sdelay $0x4  }
0x76: {  	v3 =	vsub.s32 v3, v0  }
0x77: {  	vm10 =	vgt.s32 v3, $0x0  }
0x78: {  	vm11 =	vlt.u32 v3, $0x400;
	v3 =	vnsel vm10, $0x0, v3  }
0x79: {  	v3 =	vmin.u32 v3, $0x3FF;
	_ =	sdelay $0x4  }
0x7a: {  	[tilespmem:v3+s7+$0x0] =	vst.idx.msk vm11, v2  }
0x7b: {  	v3 =	vld [tilespmem:$0x80];
	_ =	sdelay $0x4  }
0x7c: {  	v3 =	vsub.s32 v3, v0  }
0x7d: {  	vm12 =	vgt.s32 v3, $0x0  }
0x7e: {  	vm13 =	vlt.u32 v3, $0x400;
	v3 =	vnsel vm12, $0x0, v3  }
0x7f: {  	v3 =	vmin.u32 v3, $0x3FF;
	_ =	sdelay $0x4  }
0x80: {  	[tilespmem:v3+s7+$0x0] =	vst.idx.msk vm13, v2  }
0x81: {  	v3 =	vld [tilespmem:$0x90];
	_ =	sdelay $0x4  }
0x82: {  	v3 =	vsub.s32 v3, v0  }
0x83: {  	vm14 =	vgt.s32 v3, $0x0  }
0x84: {  	vm15 =	vlt.u32 v3, $0x400;
	v3 =	vnsel vm14, $0x0, v3  }
0x85: {  	v3 =	vmin.u32 v3, $0x3FF;
	_ =	sdelay $0x4  }
0x86: {  	[tilespmem:v3+s7+$0x0] =	vst.idx.msk vm15, v2  }
0x87: {  	v3 =	vld [tilespmem:$0xA0];
	_ =	sdelay $0x4  }
0x88: {  	v3 =	vsub.s32 v3, v0  }
0x89: {  	vm4 =	vgt.s32 v3, $0x0  }
0x8a: {  	vm5 =	vlt.u32 v3, $0x400;
	v3 =	vnsel vm4, $0x0, v3  }
0x8b: {  	v3 =	vmin.u32 v3, $0x3FF;
	_ =	sdelay $0x4  }
0x8c: {  	[tilespmem:v3+s7+$0x0] =	vst.idx.msk vm5, v2  }
0x8d: {  	v3 =	vld [tilespmem:$0xB0];
	_ =	sdelay $0x4  }
0x8e: {  	v3 =	vsub.s32 v3, v0  }
0x8f: {  	vm6 =	vgt.s32 v3, $0x0  }
0x90: {  	vm7 =	vlt.u32 v3, $0x400;
	v3 =	vnsel vm6, $0x0, v3  }
0x91: {  	v3 =	vmin.u32 v3, $0x3FF;
	_ =	sdelay $0x4  }
0x92: {  	[tilespmem:v3+s7+$0x0] =	vst.idx.msk vm7, v2  }
0x93: {  	v3 =	vld [tilespmem:$0xC0];
	_ =	sdelay $0x4  }
0x94: {  	v3 =	vsub.s32 v3, v0  }
0x95: {  	vm8 =	vgt.s32 v3, $0x0  }
0x96: {  	vm9 =	vlt.u32 v3, $0x400;
	v3 =	vnsel vm8, $0x0, v3  }
0x97: {  	v3 =	vmin.u32 v3, $0x3FF;
	_ =	sdelay $0x4  }
0x98: {  	[tilespmem:v3+s7+$0x0] =	vst.idx.msk vm9, v2  }
0x99: {  	v3 =	vld [tilespmem:$0xD0];
	_ =	sdelay $0x4  }
0x9a: {  	v3 =	vsub.s32 v3, v0  }
0x9b: {  	vm10 =	vgt.s32 v3, $0x0  }
0x9c: {  	vm11 =	vlt.u32 v3, $0x400;
	v3 =	vnsel vm10, $0x0, v3  }
0x9d: {  	v3 =	vmin.u32 v3, $0x3FF;
	_ =	sdelay $0x4  }
0x9e: {  	[tilespmem:v3+s7+$0x0] =	vst.idx.msk vm11, v2  }
0x9f: {  	v3 =	vld [tilespmem:$0xE0];
	_ =	sdelay $0x4  }
0xa0: {  	v3 =	vsub.s32 v3, v0  }
0xa1: {  	vm12 =	vgt.s32 v3, $0x0  }
0xa2: {  	vm13 =	vlt.u32 v3, $0x400;
	v3 =	vnsel vm12, $0x0, v3  }
0xa3: {  	v3 =	vmin.u32 v3, $0x3FF;
	_ =	sdelay $0x4  }
0xa4: {  	[tilespmem:v3+s7+$0x0] =	vst.idx.msk vm13, v2  }
0xa5: {  	v3 =	vld [tilespmem:$0xF0];
	_ =	sdelay $0x4  }
0xa6: {  	v3 =	vsub.s32 v3, v0  }
0xa7: {  	vm14 =	vgt.s32 v3, $0x0  }
0xa8: {  	vm15 =	vlt.u32 v3, $0x400;
	v3 =	vnsel vm14, $0x0, v3  }
0xa9: {  	v3 =	vmin.u32 v3, $0x3FF;
	_ =	sdelay $0x4  }
0xaa: {  	[tilespmem:v3+s7+$0x0] =	vst.idx.msk vm15, v2  }
0xab: {  	v3 =	vld [tilespmem:$0x100];
	_ =	sdelay $0x4  }
0xac: {  	v3 =	vsub.s32 v3, v0  }
0xad: {  	vm4 =	vgt.s32 v3, $0x0  }
0xae: {  	vm5 =	vlt.u32 v3, $0x400;
	v3 =	vnsel vm4, $0x0, v3  }
0xaf: {  	v3 =	vmin.u32 v3, $0x3FF;
	_ =	sdelay $0x4  }
0xb0: {  	[tilespmem:v3+s7+$0x0] =	vst.idx.msk vm5, v2  }
0xb1: {  	v3 =	vld [tilespmem:$0x110];
	_ =	sdelay $0x4  }
0xb2: {  	v3 =	vsub.s32 v3, v0  }
0xb3: {  	vm6 =	vgt.s32 v3, $0x0  }
0xb4: {  	vm7 =	vlt.u32 v3, $0x400;
	v3 =	vnsel vm6, $0x0, v3  }
0xb5: {  	v3 =	vmin.u32 v3, $0x3FF;
	_ =	sdelay $0x4  }
0xb6: {  	[tilespmem:v3+s7+$0x0] =	vst.idx.msk vm7, v2  }
0xb7: {  	v3 =	vld [tilespmem:$0x120];
	_ =	sdelay $0x4  }
0xb8: {  	v3 =	vsub.s32 v3, v0  }
0xb9: {  	vm8 =	vgt.s32 v3, $0x0  }
0xba: {  	vm9 =	vlt.u32 v3, $0x400;
	v3 =	vnsel vm8, $0x0, v3  }
0xbb: {  	v3 =	vmin.u32 v3, $0x3FF;
	_ =	sdelay $0x4  }
0xbc: {  	[tilespmem:v3+s7+$0x0] =	vst.idx.msk vm9, v2  }
0xbd: {  	v3 =	vld [tilespmem:$0x130];
	_ =	sdelay $0x4  }
0xbe: {  	v3 =	vsub.s32 v3, v0  }
0xbf: {  	vm10 =	vgt.s32 v3, $0x0  }
0xc0: {  	vm11 =	vlt.u32 v3, $0x400;
	v3 =	vnsel vm10, $0x0, v3  }
0xc1: {  	v3 =	vmin.u32 v3, $0x3FF;
	_ =	sdelay $0x4  }
0xc2: {  	[tilespmem:v3+s7+$0x0] =	vst.idx.msk vm11, v2  }
0xc3: {  	v3 =	vld [tilespmem:$0x140];
	_ =	sdelay $0x4  }
0xc4: {  	v3 =	vsub.s32 v3, v0  }
0xc5: {  	vm12 =	vgt.s32 v3, $0x0  }
0xc6: {  	vm13 =	vlt.u32 v3, $0x400;
	v3 =	vnsel vm12, $0x0, v3  }
0xc7: {  	v3 =	vmin.u32 v3, $0x3FF;
	_ =	sdelay $0x4  }
0xc8: {  	[tilespmem:v3+s7+$0x0] =	vst.idx.msk vm13, v2  }
0xc9: {  	v3 =	vld [tilespmem:$0x150];
	_ =	sdelay $0x4  }
0xca: {  	v3 =	vsub.s32 v3, v0  }
0xcb: {  	vm14 =	vgt.s32 v3, $0x0  }
0xcc: {  	vm15 =	vlt.u32 v3, $0x400;
	v3 =	vnsel vm14, $0x0, v3  }
0xcd: {  	v3 =	vmin.u32 v3, $0x3FF;
	_ =	sdelay $0x4  }
0xce: {  	[tilespmem:v3+s7+$0x0] =	vst.idx.msk vm15, v2  }
0xcf: {  	v3 =	vld [tilespmem:$0x160];
	_ =	sdelay $0x4  }
0xd0: {  	v3 =	vsub.s32 v3, v0  }
0xd1: {  	vm4 =	vgt.s32 v3, $0x0  }
0xd2: {  	vm5 =	vlt.u32 v3, $0x400;
	v3 =	vnsel vm4, $0x0, v3  }
0xd3: {  	v3 =	vmin.u32 v3, $0x3FF;
	_ =	sdelay $0x4  }
0xd4: {  	[tilespmem:v3+s7+$0x0] =	vst.idx.msk vm5, v2  }
0xd5: {  	v3 =	vld [tilespmem:$0x170];
	_ =	sdelay $0x4  }
0xd6: {  	v3 =	vsub.s32 v3, v0  }
0xd7: {  	vm6 =	vgt.s32 v3, $0x0  }
0xd8: {  	vm7 =	vlt.u32 v3, $0x400;
	v3 =	vnsel vm6, $0x0, v3  }
0xd9: {  	v3 =	vmin.u32 v3, $0x3FF;
	_ =	sdelay $0x4  }
0xda: {  	[tilespmem:v3+s7+$0x0] =	vst.idx.msk vm7, v2  }
0xdb: {  	v3 =	vld [tilespmem:$0x180];
	_ =	sdelay $0x4  }
0xdc: {  	v3 =	vsub.s32 v3, v0  }
0xdd: {  	vm8 =	vgt.s32 v3, $0x0  }
0xde: {  	vm9 =	vlt.u32 v3, $0x400;
	v3 =	vnsel vm8, $0x0, v3  }
0xdf: {  	v3 =	vmin.u32 v3, $0x3FF;
	_ =	sdelay $0x4  }
0xe0: {  	[tilespmem:v3+s7+$0x0] =	vst.idx.msk vm9, v2  }
0xe1: {  	v3 =	vld [tilespmem:$0x190];
	_ =	sdelay $0x4  }
0xe2: {  	v3 =	vsub.s32 v3, v0  }
0xe3: {  	vm10 =	vgt.s32 v3, $0x0  }
0xe4: {  	vm11 =	vlt.u32 v3, $0x400;
	v3 =	vnsel vm10, $0x0, v3  }
0xe5: {  	v3 =	vmin.u32 v3, $0x3FF;
	_ =	sdelay $0x4  }
0xe6: {  	[tilespmem:v3+s7+$0x0] =	vst.idx.msk vm11, v2  }
0xe7: {  	v3 =	vld [tilespmem:$0x1A0];
	_ =	sdelay $0x4  }
0xe8: {  	v3 =	vsub.s32 v3, v0  }
0xe9: {  	vm12 =	vgt.s32 v3, $0x0  }
0xea: {  	vm13 =	vlt.u32 v3, $0x400;
	v3 =	vnsel vm12, $0x0, v3  }
0xeb: {  	v3 =	vmin.u32 v3, $0x3FF;
	_ =	sdelay $0x4  }
0xec: {  	[tilespmem:v3+s7+$0x0] =	vst.idx.msk vm13, v2  }
0xed: {  	v3 =	vld [tilespmem:$0x1B0];
	_ =	sdelay $0x4  }
0xee: {  	v3 =	vsub.s32 v3, v0  }
0xef: {  	vm14 =	vgt.s32 v3, $0x0  }
0xf0: {  	vm15 =	vlt.u32 v3, $0x400;
	v3 =	vnsel vm14, $0x0, v3  }
0xf1: {  	v3 =	vmin.u32 v3, $0x3FF;
	_ =	sdelay $0x4  }
0xf2: {  	[tilespmem:v3+s7+$0x0] =	vst.idx.msk vm15, v2  }
0xf3: {  	v3 =	vld [tilespmem:$0x1C0];
	_ =	sdelay $0x4  }
0xf4: {  	v3 =	vsub.s32 v3, v0  }
0xf5: {  	vm4 =	vgt.s32 v3, $0x0  }
0xf6: {  	vm5 =	vlt.u32 v3, $0x400;
	v3 =	vnsel vm4, $0x0, v3  }
0xf7: {  	v3 =	vmin.u32 v3, $0x3FF;
	_ =	sdelay $0x4  }
0xf8: {  	[tilespmem:v3+s7+$0x0] =	vst.idx.msk vm5, v2  }
0xf9: {  	v3 =	vld [tilespmem:$0x1D0];
	_ =	sdelay $0x4  }
0xfa: {  	v3 =	vsub.s32 v3, v0  }
0xfb: {  	vm6 =	vgt.s32 v3, $0x0  }
0xfc: {  	vm7 =	vlt.u32 v3, $0x400;
	v3 =	vnsel vm6, $0x0, v3  }
0xfd: {  	v3 =	vmin.u32 v3, $0x3FF;
	_ =	sdelay $0x4  }
0xfe: {  	[tilespmem:v3+s7+$0x0] =	vst.idx.msk vm7, v2  }
0xff: {  	v3 =	vld [tilespmem:$0x1E0];
	_ =	sdelay $0x4  }
0x100: {  	v3 =	vsub.s32 v3, v0  }
0x101: {  	vm8 =	vgt.s32 v3, $0x0  }
0x102: {  	vm9 =	vlt.u32 v3, $0x400;
	v3 =	vnsel vm8, $0x0, v3  }
0x103: {  	v3 =	vmin.u32 v3, $0x3FF;
	_ =	sdelay $0x4  }
0x104: {  	[tilespmem:v3+s7+$0x0] =	vst.idx.msk vm9, v2  }
0x105: {  	v3 =	vld [tilespmem:$0x1F0];
	_ =	sdelay $0x4  }
0x106: {  	v3 =	vsub.s32 v3, v0  }
0x107: {  	vm10 =	vgt.s32 v3, $0x0  }
0x108: {  	vm11 =	vlt.u32 v3, $0x400;
	v3 =	vnsel vm10, $0x0, v3  }
0x109: {  	v3 =	vmin.u32 v3, $0x3FF;
	_ =	sdelay $0x4  }
0x10a: {  	[tilespmem:v3+s7+$0x0] =	vst.idx.msk vm11, v2  }
0x10b: {  	v3 =	vld [tilespmem:$0x200];
	_ =	sdelay $0x4  }
0x10c: {  	v3 =	vsub.s32 v3, v0  }
0x10d: {  	vm12 =	vgt.s32 v3, $0x0  }
0x10e: {  	vm13 =	vlt.u32 v3, $0x400;
	v3 =	vnsel vm12, $0x0, v3  }
0x10f: {  	v3 =	vmin.u32 v3, $0x3FF;
	_ =	sdelay $0x4  }
0x110: {  	[tilespmem:v3+s7+$0x0] =	vst.idx.msk vm13, v2  }
0x111: {  	v3 =	vld [tilespmem:$0x210];
	_ =	sdelay $0x4  }
0x112: {  	v3 =	vsub.s32 v3, v0  }
0x113: {  	vm14 =	vgt.s32 v3, $0x0  }
0x114: {  	vm15 =	vlt.u32 v3, $0x400;
	v3 =	vnsel vm14, $0x0, v3  }
0x115: {  	v3 =	vmin.u32 v3, $0x3FF;
	_ =	sdelay $0x4  }
0x116: {  	[tilespmem:v3+s7+$0x0] =	vst.idx.msk vm15, v2  }
0x117: {  	v3 =	vld [tilespmem:$0x220];
	_ =	sdelay $0x4  }
0x118: {  	v3 =	vsub.s32 v3, v0  }
0x119: {  	vm4 =	vgt.s32 v3, $0x0  }
0x11a: {  	vm5 =	vlt.u32 v3, $0x400;
	v3 =	vnsel vm4, $0x0, v3  }
0x11b: {  	v3 =	vmin.u32 v3, $0x3FF;
	_ =	sdelay $0x4  }
0x11c: {  	[tilespmem:v3+s7+$0x0] =	vst.idx.msk vm5, v2  }
0x11d: {  	v3 =	vld [tilespmem:$0x230];
	_ =	sdelay $0x4  }
0x11e: {  	v3 =	vsub.s32 v3, v0  }
0x11f: {  	vm6 =	vgt.s32 v3, $0x0  }
0x120: {  	vm7 =	vlt.u32 v3, $0x400;
	v3 =	vnsel vm6, $0x0, v3  }
0x121: {  	v3 =	vmin.u32 v3, $0x3FF;
	_ =	sdelay $0x4  }
0x122: {  	[tilespmem:v3+s7+$0x0] =	vst.idx.msk vm7, v2  }
0x123: {  	v3 =	vld [tilespmem:$0x240];
	_ =	sdelay $0x4  }
0x124: {  	v3 =	vsub.s32 v3, v0  }
0x125: {  	vm8 =	vgt.s32 v3, $0x0  }
0x126: {  	vm9 =	vlt.u32 v3, $0x400;
	v3 =	vnsel vm8, $0x0, v3  }
0x127: {  	v3 =	vmin.u32 v3, $0x3FF;
	_ =	sdelay $0x4  }
0x128: {  	[tilespmem:v3+s7+$0x0] =	vst.idx.msk vm9, v2  }
0x129: {  	v3 =	vld [tilespmem:$0x250];
	_ =	sdelay $0x4  }
0x12a: {  	v3 =	vsub.s32 v3, v0  }
0x12b: {  	vm10 =	vgt.s32 v3, $0x0  }
0x12c: {  	vm11 =	vlt.u32 v3, $0x400;
	v3 =	vnsel vm10, $0x0, v3  }
0x12d: {  	v3 =	vmin.u32 v3, $0x3FF;
	_ =	sdelay $0x4  }
0x12e: {  	[tilespmem:v3+s7+$0x0] =	vst.idx.msk vm11, v2  }
0x12f: {  	v3 =	vld [tilespmem:$0x260];
	_ =	sdelay $0x4  }
0x130: {  	v3 =	vsub.s32 v3, v0  }
0x131: {  	vm12 =	vgt.s32 v3, $0x0  }
0x132: {  	vm13 =	vlt.u32 v3, $0x400;
	v3 =	vnsel vm12, $0x0, v3  }
0x133: {  	v3 =	vmin.u32 v3, $0x3FF;
	_ =	sdelay $0x4  }
0x134: {  	[tilespmem:v3+s7+$0x0] =	vst.idx.msk vm13, v2  }
0x135: {  	v3 =	vld [tilespmem:$0x270];
	_ =	sdelay $0x4  }
0x136: {  	v3 =	vsub.s32 v3, v0  }
0x137: {  	vm14 =	vgt.s32 v3, $0x0  }
0x138: {  	vm15 =	vlt.u32 v3, $0x400;
	v3 =	vnsel vm14, $0x0, v3  }
0x139: {  	v3 =	vmin.u32 v3, $0x3FF;
	_ =	sdelay $0x4  }
0x13a: {  	[tilespmem:v3+s7+$0x0] =	vst.idx.msk vm15, v2  }
0x13b: {  	v3 =	vld [tilespmem:$0x280];
	_ =	sdelay $0x4  }
0x13c: {  	v3 =	vsub.s32 v3, v0  }
0x13d: {  	vm4 =	vgt.s32 v3, $0x0  }
0x13e: {  	vm5 =	vlt.u32 v3, $0x400;
	v3 =	vnsel vm4, $0x0, v3  }
0x13f: {  	v3 =	vmin.u32 v3, $0x3FF;
	_ =	sdelay $0x4  }
0x140: {  	[tilespmem:v3+s7+$0x0] =	vst.idx.msk vm5, v2  }
0x141: {  	v3 =	vld [tilespmem:$0x290];
	_ =	sdelay $0x4  }
0x142: {  	v3 =	vsub.s32 v3, v0  }
0x143: {  	vm6 =	vgt.s32 v3, $0x0  }
0x144: {  	vm7 =	vlt.u32 v3, $0x400;
	v3 =	vnsel vm6, $0x0, v3  }
0x145: {  	v3 =	vmin.u32 v3, $0x3FF;
	_ =	sdelay $0x4  }
0x146: {  	[tilespmem:v3+s7+$0x0] =	vst.idx.msk vm7, v2  }
0x147: {  	v3 =	vld [tilespmem:$0x2A0];
	_ =	sdelay $0x4  }
0x148: {  	v3 =	vsub.s32 v3, v0  }
0x149: {  	vm8 =	vgt.s32 v3, $0x0  }
0x14a: {  	vm9 =	vlt.u32 v3, $0x400;
	v3 =	vnsel vm8, $0x0, v3  }
0x14b: {  	v3 =	vmin.u32 v3, $0x3FF;
	_ =	sdelay $0x4  }
0x14c: {  	[tilespmem:v3+s7+$0x0] =	vst.idx.msk vm9, v2  }
0x14d: {  	v3 =	vld [tilespmem:$0x2B0];
	_ =	sdelay $0x4  }
0x14e: {  	v3 =	vsub.s32 v3, v0  }
0x14f: {  	vm10 =	vgt.s32 v3, $0x0  }
0x150: {  	vm11 =	vlt.u32 v3, $0x400;
	v3 =	vnsel vm10, $0x0, v3  }
0x151: {  	v3 =	vmin.u32 v3, $0x3FF;
	_ =	sdelay $0x4  }
0x152: {  	[tilespmem:v3+s7+$0x0] =	vst.idx.msk vm11, v2  }
0x153: {  	v3 =	vld [tilespmem:$0x2C0];
	_ =	sdelay $0x4  }
0x154: {  	v3 =	vsub.s32 v3, v0  }
0x155: {  	vm12 =	vgt.s32 v3, $0x0  }
0x156: {  	vm13 =	vlt.u32 v3, $0x400;
	v3 =	vnsel vm12, $0x0, v3  }
0x157: {  	v3 =	vmin.u32 v3, $0x3FF;
	_ =	sdelay $0x4  }
0x158: {  	[tilespmem:v3+s7+$0x0] =	vst.idx.msk vm13, v2  }
0x159: {  	v3 =	vld [tilespmem:$0x2D0];
	_ =	sdelay $0x4  }
0x15a: {  	v3 =	vsub.s32 v3, v0  }
0x15b: {  	vm14 =	vgt.s32 v3, $0x0  }
0x15c: {  	vm15 =	vlt.u32 v3, $0x400;
	v3 =	vnsel vm14, $0x0, v3  }
0x15d: {  	v3 =	vmin.u32 v3, $0x3FF;
	_ =	sdelay $0x4  }
0x15e: {  	[tilespmem:v3+s7+$0x0] =	vst.idx.msk vm15, v2  }
0x15f: {  	v3 =	vld [tilespmem:$0x2E0];
	_ =	sdelay $0x4  }
0x160: {  	v3 =	vsub.s32 v3, v0  }
0x161: {  	vm4 =	vgt.s32 v3, $0x0  }
0x162: {  	vm5 =	vlt.u32 v3, $0x400;
	v3 =	vnsel vm4, $0x0, v3  }
0x163: {  	v3 =	vmin.u32 v3, $0x3FF;
	_ =	sdelay $0x4  }
0x164: {  	[tilespmem:v3+s7+$0x0] =	vst.idx.msk vm5, v2  }
0x165: {  	v3 =	vld [tilespmem:$0x2F0];
	_ =	sdelay $0x4  }
0x166: {  	v3 =	vsub.s32 v3, v0  }
0x167: {  	vm6 =	vgt.s32 v3, $0x0  }
0x168: {  	vm7 =	vlt.u32 v3, $0x400;
	v3 =	vnsel vm6, $0x0, v3  }
0x169: {  	v3 =	vmin.u32 v3, $0x3FF;
	_ =	sdelay $0x4  }
0x16a: {  	[tilespmem:v3+s7+$0x0] =	vst.idx.msk vm7, v2  }
0x16b: {  	v3 =	vld [tilespmem:$0x300];
	_ =	sdelay $0x4  }
0x16c: {  	v3 =	vsub.s32 v3, v0  }
0x16d: {  	vm8 =	vgt.s32 v3, $0x0  }
0x16e: {  	vm9 =	vlt.u32 v3, $0x400;
	v3 =	vnsel vm8, $0x0, v3  }
0x16f: {  	v3 =	vmin.u32 v3, $0x3FF;
	_ =	sdelay $0x4  }
0x170: {  	[tilespmem:v3+s7+$0x0] =	vst.idx.msk vm9, v2  }
0x171: {  	v3 =	vld [tilespmem:$0x310];
	_ =	sdelay $0x4  }
0x172: {  	v3 =	vsub.s32 v3, v0  }
0x173: {  	vm10 =	vgt.s32 v3, $0x0  }
0x174: {  	vm11 =	vlt.u32 v3, $0x400;
	v3 =	vnsel vm10, $0x0, v3  }
0x175: {  	v3 =	vmin.u32 v3, $0x3FF;
	_ =	sdelay $0x4  }
0x176: {  	[tilespmem:v3+s7+$0x0] =	vst.idx.msk vm11, v2  }
0x177: {  	v3 =	vld [tilespmem:$0x320];
	_ =	sdelay $0x4  }
0x178: {  	v3 =	vsub.s32 v3, v0  }
0x179: {  	vm12 =	vgt.s32 v3, $0x0  }
0x17a: {  	vm13 =	vlt.u32 v3, $0x400;
	v3 =	vnsel vm12, $0x0, v3  }
0x17b: {  	v3 =	vmin.u32 v3, $0x3FF;
	_ =	sdelay $0x4  }
0x17c: {  	[tilespmem:v3+s7+$0x0] =	vst.idx.msk vm13, v2  }
0x17d: {  	v3 =	vld [tilespmem:$0x330];
	_ =	sdelay $0x4  }
0x17e: {  	v3 =	vsub.s32 v3, v0  }
0x17f: {  	vm14 =	vgt.s32 v3, $0x0  }
0x180: {  	vm15 =	vlt.u32 v3, $0x400;
	v3 =	vnsel vm14, $0x0, v3  }
0x181: {  	v3 =	vmin.u32 v3, $0x3FF;
	_ =	sdelay $0x4  }
0x182: {  	[tilespmem:v3+s7+$0x0] =	vst.idx.msk vm15, v2  }
0x183: {  	v3 =	vld [tilespmem:$0x340];
	_ =	sdelay $0x4  }
0x184: {  	v3 =	vsub.s32 v3, v0  }
0x185: {  	vm4 =	vgt.s32 v3, $0x0  }
0x186: {  	vm5 =	vlt.u32 v3, $0x400;
	v3 =	vnsel vm4, $0x0, v3  }
0x187: {  	v3 =	vmin.u32 v3, $0x3FF;
	_ =	sdelay $0x4  }
0x188: {  	[tilespmem:v3+s7+$0x0] =	vst.idx.msk vm5, v2  }
0x189: {  	v3 =	vld [tilespmem:$0x350];
	_ =	sdelay $0x4  }
0x18a: {  	v3 =	vsub.s32 v3, v0  }
0x18b: {  	vm6 =	vgt.s32 v3, $0x0  }
0x18c: {  	vm7 =	vlt.u32 v3, $0x400;
	v3 =	vnsel vm6, $0x0, v3  }
0x18d: {  	v3 =	vmin.u32 v3, $0x3FF;
	_ =	sdelay $0x4  }
0x18e: {  	[tilespmem:v3+s7+$0x0] =	vst.idx.msk vm7, v2  }
0x18f: {  	v3 =	vld [tilespmem:$0x360];
	_ =	sdelay $0x4  }
0x190: {  	v3 =	vsub.s32 v3, v0  }
0x191: {  	vm8 =	vgt.s32 v3, $0x0  }
0x192: {  	vm9 =	vlt.u32 v3, $0x400;
	v3 =	vnsel vm8, $0x0, v3  }
0x193: {  	v3 =	vmin.u32 v3, $0x3FF;
	_ =	sdelay $0x4  }
0x194: {  	[tilespmem:v3+s7+$0x0] =	vst.idx.msk vm9, v2  }
0x195: {  	v3 =	vld [tilespmem:$0x370];
	_ =	sdelay $0x4  }
0x196: {  	v3 =	vsub.s32 v3, v0  }
0x197: {  	vm10 =	vgt.s32 v3, $0x0  }
0x198: {  	vm11 =	vlt.u32 v3, $0x400;
	v3 =	vnsel vm10, $0x0, v3  }
0x199: {  	v3 =	vmin.u32 v3, $0x3FF;
	_ =	sdelay $0x4  }
0x19a: {  	[tilespmem:v3+s7+$0x0] =	vst.idx.msk vm11, v2  }
0x19b: {  	v3 =	vld [tilespmem:$0x380];
	_ =	sdelay $0x4  }
0x19c: {  	v3 =	vsub.s32 v3, v0  }
0x19d: {  	vm12 =	vgt.s32 v3, $0x0  }
0x19e: {  	vm13 =	vlt.u32 v3, $0x400;
	v3 =	vnsel vm12, $0x0, v3  }
0x19f: {  	v3 =	vmin.u32 v3, $0x3FF;
	_ =	sdelay $0x4  }
0x1a0: {  	[tilespmem:v3+s7+$0x0] =	vst.idx.msk vm13, v2  }
0x1a1: {  	v3 =	vld [tilespmem:$0x390];
	_ =	sdelay $0x4  }
0x1a2: {  	v3 =	vsub.s32 v3, v0  }
0x1a3: {  	vm14 =	vgt.s32 v3, $0x0  }
0x1a4: {  	vm15 =	vlt.u32 v3, $0x400;
	v3 =	vnsel vm14, $0x0, v3  }
0x1a5: {  	v3 =	vmin.u32 v3, $0x3FF;
	_ =	sdelay $0x4  }
0x1a6: {  	[tilespmem:v3+s7+$0x0] =	vst.idx.msk vm15, v2  }
0x1a7: {  	v3 =	vld [tilespmem:$0x3A0];
	_ =	sdelay $0x4  }
0x1a8: {  	v3 =	vsub.s32 v3, v0  }
0x1a9: {  	vm4 =	vgt.s32 v3, $0x0  }
0x1aa: {  	vm5 =	vlt.u32 v3, $0x400;
	v3 =	vnsel vm4, $0x0, v3  }
0x1ab: {  	v3 =	vmin.u32 v3, $0x3FF;
	_ =	sdelay $0x4  }
0x1ac: {  	[tilespmem:v3+s7+$0x0] =	vst.idx.msk vm5, v2  }
0x1ad: {  	v3 =	vld [tilespmem:$0x3B0];
	_ =	sdelay $0x4  }
0x1ae: {  	v3 =	vsub.s32 v3, v0  }
0x1af: {  	vm6 =	vgt.s32 v3, $0x0  }
0x1b0: {  	vm7 =	vlt.u32 v3, $0x400;
	v3 =	vnsel vm6, $0x0, v3  }
0x1b1: {  	v3 =	vmin.u32 v3, $0x3FF;
	_ =	sdelay $0x4  }
0x1b2: {  	[tilespmem:v3+s7+$0x0] =	vst.idx.msk vm7, v2  }
0x1b3: {  	v3 =	vld [tilespmem:$0x3C0];
	_ =	sdelay $0x4  }
0x1b4: {  	v3 =	vsub.s32 v3, v0  }
0x1b5: {  	vm8 =	vgt.s32 v3, $0x0  }
0x1b6: {  	vm9 =	vlt.u32 v3, $0x400;
	v3 =	vnsel vm8, $0x0, v3  }
0x1b7: {  	v3 =	vmin.u32 v3, $0x3FF;
	_ =	sdelay $0x4  }
0x1b8: {  	[tilespmem:v3+s7+$0x0] =	vst.idx.msk vm9, v2  }
0x1b9: {  	v3 =	vld [tilespmem:$0x3D0];
	_ =	sdelay $0x4  }
0x1ba: {  	v3 =	vsub.s32 v3, v0  }
0x1bb: {  	vm10 =	vgt.s32 v3, $0x0  }
0x1bc: {  	vm11 =	vlt.u32 v3, $0x400;
	v3 =	vnsel vm10, $0x0, v3  }
0x1bd: {  	v3 =	vmin.u32 v3, $0x3FF;
	_ =	sdelay $0x4  }
0x1be: {  	[tilespmem:v3+s7+$0x0] =	vst.idx.msk vm11, v2  }
0x1bf: {  	v3 =	vld [tilespmem:$0x3E0];
	_ =	sdelay $0x4  }
0x1c0: {  	v3 =	vsub.s32 v3, v0  }
0x1c1: {  	vm12 =	vgt.s32 v3, $0x0  }
0x1c2: {  	vm13 =	vlt.u32 v3, $0x400;
	v3 =	vnsel vm12, $0x0, v3  }
0x1c3: {  	v3 =	vmin.u32 v3, $0x3FF;
	_ =	sdelay $0x4  }
0x1c4: {  	[tilespmem:v3+s7+$0x0] =	vst.idx.msk vm13, v2  }
0x1c5: {  	v3 =	vld [tilespmem:$0x3F0];
	_ =	sdelay $0x4  }
0x1c6: {  	v3 =	vsub.s32 v3, v0  }
0x1c7: {  	vm14 =	vgt.s32 v3, $0x0  }
0x1c8: {  	vm15 =	vlt.u32 v3, $0x400;
	v3 =	vnsel vm14, $0x0, v3  }
0x1c9: {  	v3 =	vmin.u32 v3, $0x3FF;
	_ =	sdelay $0x3  }
0x1ca: {  	p0 =	sne.s32 s5, $0x1  }
.Ltmp0:
0x1cb: {  	[tilespmem:v3+s7+$0x0] =	vst.idx.msk vm15, v2;
	(pc) =	sbr.rel @p0 .LBB2_1-.Ltmp0, $4  }
0x1cc: {  	[hbm4b:s4+s2] =	stream.linear.scatter [tilespmem:s7], [sflag:$0x1], $0x400, $0x38;
	[tilespmem:$0x800] =	vst v63  }
0x1cd: {  	_ =	swait.ge [sflag:s6], $0x400  }
0x1ce: {  	[sflag:s6] =	ssyncset.done $0x0  }
0x1cf: {  	s5 =	sadd.s32 $0xFFFFFFFF, s5;
	[sflag:s6] =	ssyncadd.s32 $0xFFFFFC00  }
0x1d0: {  	_ =	sfence.sel $0x180000  }
0x1d1: {  	[bflag:$0x0] =	sbarrier.arrive $0xFFFF  }
0x1d2: {  	p0 =	sne.s32 s1, $0x0;
	_ =	strace $0x90000047  }
0x1d3: {  	s0 =	sadd.s32 @!p0 $0x100000, s0;
	[bflag:$0x2] =	sbarrier.arrive $0xFFFF  }
0x1d4: {  	[sflag:s0] =	ssyncadd.tile.s32 @!p0 $0x1;
	_ =	shalt  }
.Lfunc_end2:
_tile_overlayer_lowered:
.L_overlay_start_2:
0x1d5: {  	(tag) =	ssettag $0x2  }
0x1d6: {  	s0 =	rddreg [dreg:$0x0];
	s2 =	stileid.u32  }
0x1d7: {  	s1 =	rddreg [dreg:$0x1];
	p0 =	sne.s32 s2, $0x0  }
0x1d8: {  	s3 =	rddreg [dreg:$0x2];
	[bflag:$0x3] =	sbarrier.arrive $0xFFFF;
	s2 =	simm.s32 @!p0 $0x1C01  }
0x1d9: {  	[timem:s3], [sflag:s2] =	dma.local @!p0 [hbm:s0], s1  }
0x1da: {  	s0 =	simm.s32 @!p0 $0x1  }
0x1db: {  	_ =	swait.ge @!p0 [sflag:s0], s1  }
0x1dc: {  	s1 =	ssub.s32 @!p0 $0x0, s1;
	[sflag:s0] =	ssyncset.done @!p0 $0x0  }
0x1dd: {  	[sflag:s0] =	ssyncadd.s32 @!p0 s1  }
0x1de: {  	[bflag:$0x3] =	sbarrier.arrive $0xFFFF  }
0x1df: {  	_ =	shalt  }

</sc_bundles>
